<compile_context>
chip_gen: v7x
topology: tpu7x:2x2x1
jax: 0.10.2.dev20260603
libtpu: 0.0.44.dev20260713+nightly
codegen_flags: <defaults>
</compile_context>

<pallas_src>
import functools

import jax
import jax.numpy as jnp
from jax import lax
from jax.experimental import pallas as pl
from jax.experimental.pallas import tpu as pltpu
from jax.experimental.pallas import tpu_sc as plsc

POS_B = 4096
NEG_B = 16384
DIM = 128
NUM_REL = 1000
NEG_RATIO = NEG_B // POS_B
N_RULES = 20
N_RULE_PAD = 32
MARGIN = 1.0
RULE_WEIGHT = 0.5

ENT_N = 2 * POS_B + 2 * NEG_B

_NW = 32
_CH = 128
_ENT_PW = ENT_N // _NW
_ENT_CH = _ENT_PW // _CH

_NBUF = 6

_PB = 512
_GRID = POS_B // _PB
_S = POS_B // _PB



_sc_mesh = plsc.VectorSubcoreMesh(core_axis_name="c", subcore_axis_name="s")


@functools.partial(
    pl.kernel,
    mesh=_sc_mesh,
    out_type=(
        jax.ShapeDtypeStruct((ENT_N, DIM), jnp.float32),
        jax.ShapeDtypeStruct((N_RULE_PAD, DIM), jnp.float32),
        jax.ShapeDtypeStruct((N_RULE_PAD, DIM), jnp.float32),
    ),
    scratch_types=[
        pltpu.VMEM((_ENT_PW,), jnp.int32),
        pltpu.VMEM((N_RULE_PAD,), jnp.int32),
        pltpu.VMEM((_NBUF, _CH, DIM), jnp.float32),
        pltpu.VMEM((N_RULE_PAD, DIM), jnp.float32),
        pltpu.SemaphoreType.DMA,
    ] + [pltpu.SemaphoreType.DMA] * (2 * _NBUF),
)
def _sc_gather(ent_hbm, rel_hbm, norm_hbm, eidx_hbm, rulidx_hbm,
               out_ent, out_dr, out_wr,
               idx_e, idx_rul, rows, rows_rul, sem, *ring_sems):
    wid = lax.axis_index("s") * 2 + lax.axis_index("c")
    gsem, ssem = ring_sems[:_NBUF], ring_sems[_NBUF:]

    pltpu.sync_copy(eidx_hbm.at[pl.ds(wid * _ENT_PW, _ENT_PW)], idx_e)

    n = _ENT_CH
    gh = [None] * _NBUF
    sh = [None] * _NBUF
    issued = 0
    for k in range(n):
        while issued < min(n, k + _NBUF):
            b = issued % _NBUF
            if sh[b] is not None:
                sh[b].wait()
            gh[b] = pltpu.async_copy(
                ent_hbm.at[idx_e.at[pl.ds(issued * _CH, _CH)]],
                rows.at[b], gsem[b])
            issued += 1
        b = k % _NBUF
        gh[b].wait()
        sh[b] = pltpu.async_copy(
            rows.at[b], out_ent.at[pl.ds(wid * _ENT_PW + k * _CH, _CH)],
            ssem[b])
    for b in range(min(_NBUF, n)):
        sh[b].wait()

    @pl.when(wid == 0)
    def _():
        pltpu.sync_copy(rulidx_hbm, idx_rul)
        pltpu.async_copy(rel_hbm.at[idx_rul], rows_rul, sem).wait()
        pltpu.sync_copy(rows_rul, out_dr)
        pltpu.async_copy(norm_hbm.at[idx_rul], rows_rul, sem).wait()
        pltpu.sync_copy(rows_rul, out_wr)



def _normw(w):
    return w / (jnp.sqrt(jnp.sum(w * w, axis=-1, keepdims=True)) + 1e-9)


def _tc_body(hp, tp, hn0, hn1, hn2, hn3, tn0, tn1, tn2, tn3,
             catt, posr, nr0, nr1, nr2, nr3,
             dr, wr, r1b, confb, out):
    i = pl.program_id(0)

    cat = catt[...]
    catb = jnp.concatenate(
        [cat[:, :DIM].astype(jnp.bfloat16),
         _normw(cat[:, DIM:]).astype(jnp.bfloat16)], axis=1)
    iot = lax.broadcasted_iota(jnp.int32, (1, NUM_REL), 1)
    dsel_n = (((1,), (0,)), ((), ()))

    def _rel_rows(ridx):
        oh = (ridx[...] == iot).astype(jnp.bfloat16)
        sel = lax.dot_general(oh, catb, dsel_n,
                              preferred_element_type=jnp.float32)
        return sel[:, :DIM], sel[:, DIM:]

    def _score_u(u, d, w):
        al = jnp.sum(w * u, axis=-1, keepdims=True)
        v = u - al * w + d
        return -jnp.sqrt(jnp.sum(v * v, axis=-1, keepdims=True) + 1e-12)

    up = hp[...] - tp[...]
    dp, wp = _rel_rows(posr)
    ps = _score_u(up, dp, wp)

    basic = jnp.float32(0.0)
    for hn, tn, rn in ((hn0, tn0, nr0), (hn1, tn1, nr1),
                       (hn2, tn2, nr2), (hn3, tn3, nr3)):
        dn, wn_ = _rel_rows(rn)
        ns = _score_u(hn[...] - tn[...], dn, wn_)
        basic = basic + jnp.sum(jax.nn.relu(MARGIN - ps + ns))

    drv = dr[...]
    wrv = _normw(wr[...])
    dn_ = (((1,), (1,)), ((), ()))
    alr = lax.dot_general(up, wrv, dn_, preferred_element_type=jnp.float32)
    ber = lax.dot_general(up, drv, dn_, preferred_element_type=jnp.float32)
    ones = jnp.ones((1, DIM), jnp.float32)
    ddr = lax.dot_general(ones, drv * drv, dn_,
                          preferred_element_type=jnp.float32)
    wdr = lax.dot_general(ones, wrv * drv, dn_,
                          preferred_element_type=jnp.float32)
    nu = jnp.sum(up * up, axis=-1, keepdims=True)
    dist2 = nu - alr * alr + ddr + 2.0 * ber - 2.0 * alr * wdr
    rsc = -jnp.sqrt(jnp.maximum(dist2, 0.0) + 1e-12)
    mask = posr[...] == r1b[0:1, :]
    rulep = -jnp.sum(jnp.where(mask, confb[0:1, :] * rsc, 0.0))

    part = basic * (1.0 / NEG_B) + RULE_WEIGHT * rulep

    @pl.when(i == 0)
    def _():
        out[...] = jnp.zeros_like(out)

    out[...] += part


def _tc_call(ent_rows, cat_tab, posr, nrq, dr_rows, wr_rows, r1b, confb):
    ebs = lambda f: pl.BlockSpec((_PB, DIM), f)
    ibs = lambda f: pl.BlockSpec((_PB, 1), f)
    specs = []
    specs.append(ebs(lambda i: (i, 0)))
    specs.append(ebs(lambda i: (i + _S, 0)))
    for q in range(NEG_RATIO):
        specs.append(ebs(lambda i, q=q: (2 * _S + _S * q + i, 0)))
    for q in range(NEG_RATIO):
        specs.append(ebs(lambda i, q=q: (6 * _S + _S * q + i, 0)))
    specs.append(pl.BlockSpec((NUM_REL, 2 * DIM), lambda i: (0, 0)))
    specs.append(ibs(lambda i: (i, 0)))
    for q in range(NEG_RATIO):
        specs.append(ibs(lambda i, q=q: (_S * q + i, 0)))
    specs.append(pl.BlockSpec((N_RULE_PAD, DIM), lambda i: (0, 0)))
    specs.append(pl.BlockSpec((N_RULE_PAD, DIM), lambda i: (0, 0)))
    specs.append(pl.BlockSpec((8, N_RULE_PAD), lambda i: (0, 0)))
    specs.append(pl.BlockSpec((8, N_RULE_PAD), lambda i: (0, 0)))
    return pl.pallas_call(
        _tc_body,
        grid=(_GRID,),
        in_specs=specs,
        out_specs=pl.BlockSpec((1, 1), lambda i: (0, 0)),
        out_shape=jax.ShapeDtypeStruct((1, 1), jnp.float32),
    )(ent_rows, ent_rows, ent_rows, ent_rows, ent_rows, ent_rows,
      ent_rows, ent_rows, ent_rows, ent_rows,
      cat_tab, posr, nrq, nrq, nrq, nrq,
      dr_rows, wr_rows, r1b, confb)


def kernel(pos_triples, neg_triples, ent_emb, rel_emb, norm_vec,
           rule_r1, rule_r2, rule_conf):
    ph, pr, pt = pos_triples[:, 0], pos_triples[:, 1], pos_triples[:, 2]
    nh, nr, nt = neg_triples[:, 0], neg_triples[:, 1], neg_triples[:, 2]

    qmaj = lambda x: x.reshape(POS_B, NEG_RATIO).T.reshape(-1)
    nhq, ntq, nrq = qmaj(nh), qmaj(nt), qmaj(nr)

    eidx = jnp.concatenate([ph, pt, nhq, ntq])
    rulidx = jnp.concatenate(
        [rule_r2, jnp.zeros((N_RULE_PAD - N_RULES,), jnp.int32)])

    ent_rows, dr_rows, wr_rows = _sc_gather(
        ent_emb, rel_emb, norm_vec, eidx, rulidx)

    posr = pr.reshape(POS_B, 1)
    nrq2 = nrq.reshape(NEG_B, 1)
    pad_i = jnp.full((N_RULE_PAD - N_RULES,), -1, jnp.int32)
    r1b = jnp.broadcast_to(
        jnp.concatenate([rule_r1, pad_i])[None, :], (8, N_RULE_PAD))
    confb = jnp.broadcast_to(
        jnp.concatenate([rule_conf, jnp.zeros((N_RULE_PAD - N_RULES,),
                                              jnp.float32)])[None, :],
        (8, N_RULE_PAD))

    cat_tab = jnp.concatenate([rel_emb, norm_vec], axis=1)
    loss = _tc_call(ent_rows, cat_tab, posr, nrq2, dr_rows,
                    wr_rows, r1b, confb)
    return loss.reshape(())

# --- scband reference (transcript-rebuilt; emitter-appended) ---
"""Pipeline reference for scband-simple-rule-enhanced-trans-h-69020124446752 (READ-ONLY COPY).

The authoritative reference and input builder live on the scoring server;
editing this copy changes nothing except your own understanding.
"""

import jax, jax.numpy as jnp
import numpy as np

NUM_ENTITIES = 100000
NUM_RELATIONS = 1000
DIM = 128
POS_B = 4096
NEG_B = 16384
N_RULES = 20
MARGIN = 1.0
RULE_WEIGHT = 0.5


def _transh_score(ent_emb, rel_emb, norm_vec, h, r, t):
    he = jnp.take(ent_emb, h, axis=0)
    te = jnp.take(ent_emb, t, axis=0)
    d = jnp.take(rel_emb, r, axis=0)
    w = jnp.take(norm_vec, r, axis=0)
    w = w / (jnp.linalg.norm(w, axis=-1, keepdims=True) + 1e-9)
    h_perp = he - jnp.sum(he * w, axis=-1, keepdims=True) * w
    t_perp = te - jnp.sum(te * w, axis=-1, keepdims=True) * w
    dist = jnp.sqrt(jnp.sum((h_perp + d - t_perp) ** 2, axis=-1) + 1e-12)
    return -dist


def _forward(ent_emb, rel_emb, norm_vec, rule_conf, pos_triples, neg_triples, rule_r1, rule_r2):
    neg_ratio = NEG_B // POS_B
    exp_pos = jnp.repeat(pos_triples, neg_ratio, axis=0)
    pos_s = _transh_score(ent_emb, rel_emb, norm_vec, exp_pos[:, 0], exp_pos[:, 1], exp_pos[:, 2])
    neg_s = _transh_score(ent_emb, rel_emb, norm_vec, neg_triples[:, 0], neg_triples[:, 1], neg_triples[:, 2])
    # canonical TransH margin-ranking loss (transH(expanded_pos, neg))
    basic_loss = jnp.mean(jax.nn.relu(MARGIN - pos_s + neg_s))
    # rule enhancement: rule_loss -= conf * score(h, r2, t) for every pos triple with r == r1
    ph, pr, pt = pos_triples[:, 0], pos_triples[:, 1], pos_triples[:, 2]

    def per_rule(r2):
        rr = jnp.broadcast_to(r2, ph.shape)
        return _transh_score(ent_emb, rel_emb, norm_vec, ph, rr, pt)

    rule_scores = jax.vmap(per_rule)(rule_r2)  # [N_RULES, POS_B]
    mask = (pr[None, :] == rule_r1[:, None])
    rule_loss = -jnp.sum(jnp.where(mask, rule_conf[:, None] * rule_scores, 0.0))
    return basic_loss + RULE_WEIGHT * rule_loss


def setup_inputs(seed: int = 0):
    key = jax.random.key(seed)
    ks = jax.random.split(key, 12)
    pos_h = jax.random.randint(ks[0], (POS_B,), 0, NUM_ENTITIES, dtype=jnp.int32)
    pos_r = jax.random.randint(ks[1], (POS_B,), 0, NUM_RELATIONS, dtype=jnp.int32)
    pos_t = jax.random.randint(ks[2], (POS_B,), 0, NUM_ENTITIES, dtype=jnp.int32)
    pos_triples = jnp.stack([pos_h, pos_r, pos_t], axis=1)
    neg_h = jax.random.randint(ks[3], (NEG_B,), 0, NUM_ENTITIES, dtype=jnp.int32)
    neg_r = jax.random.randint(ks[4], (NEG_B,), 0, NUM_RELATIONS, dtype=jnp.int32)
    neg_t = jax.random.randint(ks[5], (NEG_B,), 0, NUM_ENTITIES, dtype=jnp.int32)
    neg_triples = jnp.stack([neg_h, neg_r, neg_t], axis=1)
    ent_emb = jax.random.normal(ks[6], (NUM_ENTITIES, DIM), dtype=jnp.float32) * 0.02
    rel_emb = jax.random.normal(ks[7], (NUM_RELATIONS, DIM), dtype=jnp.float32) * 0.02
    norm_vec = jax.random.normal(ks[8], (NUM_RELATIONS, DIM), dtype=jnp.float32)
    rule_r1 = jax.random.randint(ks[9], (N_RULES,), 0, NUM_RELATIONS, dtype=jnp.int32)
    rule_r2 = jax.random.randint(ks[10], (N_RULES,), 0, NUM_RELATIONS, dtype=jnp.int32)
    rule_conf = 0.7 + 0.3 * jax.random.uniform(ks[11], (N_RULES,), dtype=jnp.float32)
    return {
        'pos_triples': pos_triples,
        'neg_triples': neg_triples,
        'ent_emb': ent_emb,
        'rel_emb': rel_emb,
        'norm_vec': norm_vec,
        'rule_r1': rule_r1,
        'rule_r2': rule_r2,
        'rule_conf': rule_conf,
    }


def reference(pos_triples, neg_triples, ent_emb, rel_emb, norm_vec, rule_r1, rule_r2, rule_conf):
    return _forward(ent_emb, rel_emb, norm_vec, rule_conf, pos_triples, neg_triples, rule_r1, rule_r2)

if __name__ == "__main__":
    import jax
    _d = setup_inputs()
    print(jax.jit(kernel)(*tuple(_d.values())))

</pallas_src>

<mosaic_0001>
#map = affine_map<(d0, d1) -> (0, 0)>
#map1 = affine_map<(d0, d1) -> (0)>
module attributes {stable_mosaic.version = 14 : i64} {
  func.func @_sc_gather(%arg0: i32, %arg1: i32, %arg2: memref<100000x128xf32, #tpu.memory_space<hbm>>, %arg3: memref<1000x128xf32, #tpu.memory_space<hbm>>, %arg4: memref<1000x128xf32, #tpu.memory_space<hbm>>, %arg5: memref<40960xi32, #tpu.memory_space<hbm>>, %arg6: memref<32xi32, #tpu.memory_space<hbm>>, %arg7: memref<40960x128xf32, #tpu.memory_space<hbm>>, %arg8: memref<32x128xf32, #tpu.memory_space<hbm>>, %arg9: memref<32x128xf32, #tpu.memory_space<hbm>>, %arg10: memref<1280xi32, #tpu.memory_space<vmem>>, %arg11: memref<32xi32, #tpu.memory_space<vmem>>, %arg12: memref<6x128x128xf32, #tpu.memory_space<vmem>>, %arg13: memref<32x128xf32, #tpu.memory_space<vmem>>, %arg14: memref<!tpu.dma_semaphore, #tpu.memory_space<semaphore_mem>>, %arg15: memref<!tpu.dma_semaphore, #tpu.memory_space<semaphore_mem>>, %arg16: memref<!tpu.dma_semaphore, #tpu.memory_space<semaphore_mem>>, %arg17: memref<!tpu.dma_semaphore, #tpu.memory_space<semaphore_mem>>, %arg18: memref<!tpu.dma_semaphore, #tpu.memory_space<semaphore_mem>>, %arg19: memref<!tpu.dma_semaphore, #tpu.memory_space<semaphore_mem>>, %arg20: memref<!tpu.dma_semaphore, #tpu.memory_space<semaphore_mem>>, %arg21: memref<!tpu.dma_semaphore, #tpu.memory_space<semaphore_mem>>, %arg22: memref<!tpu.dma_semaphore, #tpu.memory_space<semaphore_mem>>, %arg23: memref<!tpu.dma_semaphore, #tpu.memory_space<semaphore_mem>>, %arg24: memref<!tpu.dma_semaphore, #tpu.memory_space<semaphore_mem>>, %arg25: memref<!tpu.dma_semaphore, #tpu.memory_space<semaphore_mem>>, %arg26: memref<!tpu.dma_semaphore, #tpu.memory_space<semaphore_mem>>) attributes {dimension_semantics = [#tpu.dimension_semantics<core_parallel>, #tpu.dimension_semantics<subcore_parallel>], iteration_bounds = array<i64: 2, 16>, scalar_prefetch = 0 : i64, scratch_operands = 17 : i64, tpu.core_type = #tpu.core_type<sc_vector_subcore>, window_params = [{transform_indices = #map}, {transform_indices = #map}, {transform_indices = #map}, {transform_indices = #map1}, {transform_indices = #map1}, {transform_indices = #map}, {transform_indices = #map}, {transform_indices = #map}]} {
    %mul3A = arith.constant 2 : i32
    %mul3A_0 = arith.muli %arg1, %mul3A : i32
    %add3A = arith.addi %mul3A_0, %arg0 : i32
    %mul3A_1 = arith.constant 1280 : i32
    %mul3A_2 = arith.muli %add3A, %mul3A_1 : i32
    "tpu.region"() ({
      %run_scoped3A = tpu.sem_alloc : memref<!tpu.dma_semaphore, #tpu.memory_space<semaphore_mem>>
      %dma_start3A_503 = tpu.memref_slice %arg5[%mul3A_2] : memref<40960xi32, #tpu.memory_space<hbm>> -> memref<1280xi32, #tpu.memory_space<hbm>>
      %dma_start3A_504 = tpu.memref_slice %arg5[%mul3A_2] : memref<40960xi32, #tpu.memory_space<hbm>> -> memref<1280xi32, #tpu.memory_space<hbm>>
      tpu.enqueue_dma source(%dma_start3A_504 : memref<1280xi32, #tpu.memory_space<hbm>>) target(%arg10 : memref<1280xi32, #tpu.memory_space<vmem>>) target_semaphore(%run_scoped3A : memref<!tpu.dma_semaphore, #tpu.memory_space<semaphore_mem>>)
      %dma_wait3A_505 = tpu.memref_slice %arg5[%mul3A_2] : memref<40960xi32, #tpu.memory_space<hbm>> -> memref<1280xi32, #tpu.memory_space<hbm>>
      %dma_wait3A_506 = tpu.memref_slice %arg5[%mul3A_2] : memref<40960xi32, #tpu.memory_space<hbm>> -> memref<1280xi32, #tpu.memory_space<hbm>>
      tpu.wait_dma2 semaphore(%run_scoped3A : memref<!tpu.dma_semaphore, #tpu.memory_space<semaphore_mem>>) src(%dma_wait3A_506 : memref<1280xi32, #tpu.memory_space<hbm>>) dst(%arg10 : memref<1280xi32, #tpu.memory_space<vmem>>)
      tpu.yield
    }) : () -> ()
    %dma_start3A = arith.constant 0 : i32
    %dma_start3A_3 = arith.constant 0 : i32
    %dma_start3A_4 = arith.constant 0 : i32
    %dma_start3A_5 = tpu.memref_slice %arg12[%dma_start3A, %dma_start3A_3, %dma_start3A_4] : memref<6x128x128xf32, #tpu.memory_space<vmem>> -> memref<1x128x128xf32, #tpu.memory_space<vmem>>
    %dma_start3A_6 = tpu.memref_squeeze %dma_start3A_5 : memref<1x128x128xf32, #tpu.memory_space<vmem>> -> memref<128x128xf32, #tpu.memory_space<vmem>>
    %dma_start3A_7 = arith.constant 0 : i32
    %dma_start3A_8 = tpu.memref_slice %arg10[%dma_start3A_7] : memref<1280xi32, #tpu.memory_space<vmem>> -> memref<128xi32, #tpu.memory_space<vmem>>
    %dma_start3A_9 = arith.constant 0 : i32
    %dma_start3A_10 = arith.constant 0 : i32
    %dma_start3A_11 = tpu.memref_slice %arg2[%dma_start3A_9, %dma_start3A_10] : memref<100000x128xf32, #tpu.memory_space<hbm>> -> memref<100000x128xf32, #tpu.memory_space<hbm>>
    tpu.enqueue_indirect_dma source(%dma_start3A_11 : memref<100000x128xf32, #tpu.memory_space<hbm>>) target(%dma_start3A_6 : memref<128x128xf32, #tpu.memory_space<vmem>>) offsets(%dma_start3A_8 : memref<128xi32, #tpu.memory_space<vmem>>) semaphore(%arg15 : memref<!tpu.dma_semaphore, #tpu.memory_space<semaphore_mem>>)
    %dma_start3A_12 = arith.constant 1 : i32
    %dma_start3A_13 = arith.constant 0 : i32
    %dma_start3A_14 = arith.constant 0 : i32
    %dma_start3A_15 = tpu.memref_slice %arg12[%dma_start3A_12, %dma_start3A_13, %dma_start3A_14] : memref<6x128x128xf32, #tpu.memory_space<vmem>> -> memref<1x128x128xf32, #tpu.memory_space<vmem>>
    %dma_start3A_16 = tpu.memref_squeeze %dma_start3A_15 : memref<1x128x128xf32, #tpu.memory_space<vmem>> -> memref<128x128xf32, #tpu.memory_space<vmem>>
    %dma_start3A_17 = arith.constant 128 : i32
    %dma_start3A_18 = tpu.memref_slice %arg10[%dma_start3A_17] : memref<1280xi32, #tpu.memory_space<vmem>> -> memref<128xi32, #tpu.memory_space<vmem>>
    %dma_start3A_19 = arith.constant 0 : i32
    %dma_start3A_20 = arith.constant 0 : i32
    %dma_start3A_21 = tpu.memref_slice %arg2[%dma_start3A_19, %dma_start3A_20] : memref<100000x128xf32, #tpu.memory_space<hbm>> -> memref<100000x128xf32, #tpu.memory_space<hbm>>
    tpu.enqueue_indirect_dma source(%dma_start3A_21 : memref<100000x128xf32, #tpu.memory_space<hbm>>) target(%dma_start3A_16 : memref<128x128xf32, #tpu.memory_space<vmem>>) offsets(%dma_start3A_18 : memref<128xi32, #tpu.memory_space<vmem>>) semaphore(%arg16 : memref<!tpu.dma_semaphore, #tpu.memory_space<semaphore_mem>>)
    %dma_start3A_22 = arith.constant 2 : i32
    %dma_start3A_23 = arith.constant 0 : i32
    %dma_start3A_24 = arith.constant 0 : i32
    %dma_start3A_25 = tpu.memref_slice %arg12[%dma_start3A_22, %dma_start3A_23, %dma_start3A_24] : memref<6x128x128xf32, #tpu.memory_space<vmem>> -> memref<1x128x128xf32, #tpu.memory_space<vmem>>
    %dma_start3A_26 = tpu.memref_squeeze %dma_start3A_25 : memref<1x128x128xf32, #tpu.memory_space<vmem>> -> memref<128x128xf32, #tpu.memory_space<vmem>>
    %dma_start3A_27 = arith.constant 256 : i32
    %dma_start3A_28 = tpu.memref_slice %arg10[%dma_start3A_27] : memref<1280xi32, #tpu.memory_space<vmem>> -> memref<128xi32, #tpu.memory_space<vmem>>
    %dma_start3A_29 = arith.constant 0 : i32
    %dma_start3A_30 = arith.constant 0 : i32
    %dma_start3A_31 = tpu.memref_slice %arg2[%dma_start3A_29, %dma_start3A_30] : memref<100000x128xf32, #tpu.memory_space<hbm>> -> memref<100000x128xf32, #tpu.memory_space<hbm>>
    tpu.enqueue_indirect_dma source(%dma_start3A_31 : memref<100000x128xf32, #tpu.memory_space<hbm>>) target(%dma_start3A_26 : memref<128x128xf32, #tpu.memory_space<vmem>>) offsets(%dma_start3A_28 : memref<128xi32, #tpu.memory_space<vmem>>) semaphore(%arg17 : memref<!tpu.dma_semaphore, #tpu.memory_space<semaphore_mem>>)
    %dma_start3A_32 = arith.constant 3 : i32
    %dma_start3A_33 = arith.constant 0 : i32
    %dma_start3A_34 = arith.constant 0 : i32
    %dma_start3A_35 = tpu.memref_slice %arg12[%dma_start3A_32, %dma_start3A_33, %dma_start3A_34] : memref<6x128x128xf32, #tpu.memory_space<vmem>> -> memref<1x128x128xf32, #tpu.memory_space<vmem>>
    %dma_start3A_36 = tpu.memref_squeeze %dma_start3A_35 : memref<1x128x128xf32, #tpu.memory_space<vmem>> -> memref<128x128xf32, #tpu.memory_space<vmem>>
    %dma_start3A_37 = arith.constant 384 : i32
    %dma_start3A_38 = tpu.memref_slice %arg10[%dma_start3A_37] : memref<1280xi32, #tpu.memory_space<vmem>> -> memref<128xi32, #tpu.memory_space<vmem>>
    %dma_start3A_39 = arith.constant 0 : i32
    %dma_start3A_40 = arith.constant 0 : i32
    %dma_start3A_41 = tpu.memref_slice %arg2[%dma_start3A_39, %dma_start3A_40] : memref<100000x128xf32, #tpu.memory_space<hbm>> -> memref<100000x128xf32, #tpu.memory_space<hbm>>
    tpu.enqueue_indirect_dma source(%dma_start3A_41 : memref<100000x128xf32, #tpu.memory_space<hbm>>) target(%dma_start3A_36 : memref<128x128xf32, #tpu.memory_space<vmem>>) offsets(%dma_start3A_38 : memref<128xi32, #tpu.memory_space<vmem>>) semaphore(%arg18 : memref<!tpu.dma_semaphore, #tpu.memory_space<semaphore_mem>>)
    %dma_start3A_42 = arith.constant 4 : i32
    %dma_start3A_43 = arith.constant 0 : i32
    %dma_start3A_44 = arith.constant 0 : i32
    %dma_start3A_45 = tpu.memref_slice %arg12[%dma_start3A_42, %dma_start3A_43, %dma_start3A_44] : memref<6x128x128xf32, #tpu.memory_space<vmem>> -> memref<1x128x128xf32, #tpu.memory_space<vmem>>
    %dma_start3A_46 = tpu.memref_squeeze %dma_start3A_45 : memref<1x128x128xf32, #tpu.memory_space<vmem>> -> memref<128x128xf32, #tpu.memory_space<vmem>>
    %dma_start3A_47 = arith.constant 512 : i32
    %dma_start3A_48 = tpu.memref_slice %arg10[%dma_start3A_47] : memref<1280xi32, #tpu.memory_space<vmem>> -> memref<128xi32, #tpu.memory_space<vmem>>
    %dma_start3A_49 = arith.constant 0 : i32
    %dma_start3A_50 = arith.constant 0 : i32
    %dma_start3A_51 = tpu.memref_slice %arg2[%dma_start3A_49, %dma_start3A_50] : memref<100000x128xf32, #tpu.memory_space<hbm>> -> memref<100000x128xf32, #tpu.memory_space<hbm>>
    tpu.enqueue_indirect_dma source(%dma_start3A_51 : memref<100000x128xf32, #tpu.memory_space<hbm>>) target(%dma_start3A_46 : memref<128x128xf32, #tpu.memory_space<vmem>>) offsets(%dma_start3A_48 : memref<128xi32, #tpu.memory_space<vmem>>) semaphore(%arg19 : memref<!tpu.dma_semaphore, #tpu.memory_space<semaphore_mem>>)
    %dma_start3A_52 = arith.constant 5 : i32
    %dma_start3A_53 = arith.constant 0 : i32
    %dma_start3A_54 = arith.constant 0 : i32
    %dma_start3A_55 = tpu.memref_slice %arg12[%dma_start3A_52, %dma_start3A_53, %dma_start3A_54] : memref<6x128x128xf32, #tpu.memory_space<vmem>> -> memref<1x128x128xf32, #tpu.memory_space<vmem>>
    %dma_start3A_56 = tpu.memref_squeeze %dma_start3A_55 : memref<1x128x128xf32, #tpu.memory_space<vmem>> -> memref<128x128xf32, #tpu.memory_space<vmem>>
    %dma_start3A_57 = arith.constant 640 : i32
    %dma_start3A_58 = tpu.memref_slice %arg10[%dma_start3A_57] : memref<1280xi32, #tpu.memory_space<vmem>> -> memref<128xi32, #tpu.memory_space<vmem>>
    %dma_start3A_59 = arith.constant 0 : i32
    %dma_start3A_60 = arith.constant 0 : i32
    %dma_start3A_61 = tpu.memref_slice %arg2[%dma_start3A_59, %dma_start3A_60] : memref<100000x128xf32, #tpu.memory_space<hbm>> -> memref<100000x128xf32, #tpu.memory_space<hbm>>
    tpu.enqueue_indirect_dma source(%dma_start3A_61 : memref<100000x128xf32, #tpu.memory_space<hbm>>) target(%dma_start3A_56 : memref<128x128xf32, #tpu.memory_space<vmem>>) offsets(%dma_start3A_58 : memref<128xi32, #tpu.memory_space<vmem>>) semaphore(%arg20 : memref<!tpu.dma_semaphore, #tpu.memory_space<semaphore_mem>>)
    %dma_wait3A = arith.constant 0 : i32
    %dma_wait3A_62 = arith.constant 0 : i32
    %dma_wait3A_63 = arith.constant 0 : i32
    %dma_wait3A_64 = tpu.memref_slice %arg12[%dma_wait3A, %dma_wait3A_62, %dma_wait3A_63] : memref<6x128x128xf32, #tpu.memory_space<vmem>> -> memref<1x128x128xf32, #tpu.memory_space<vmem>>
    %dma_wait3A_65 = tpu.memref_squeeze %dma_wait3A_64 : memref<1x128x128xf32, #tpu.memory_space<vmem>> -> memref<128x128xf32, #tpu.memory_space<vmem>>
    %dma_wait3A_66 = arith.constant 0 : i32
    %dma_wait3A_67 = tpu.memref_slice %arg10[%dma_wait3A_66] : memref<1280xi32, #tpu.memory_space<vmem>> -> memref<128xi32, #tpu.memory_space<vmem>>
    %dma_wait3A_68 = arith.constant 0 : i32
    %dma_wait3A_69 = arith.constant 0 : i32
    %dma_wait3A_70 = tpu.memref_slice %arg2[%dma_wait3A_68, %dma_wait3A_69] : memref<100000x128xf32, #tpu.memory_space<hbm>> -> memref<100000x128xf32, #tpu.memory_space<hbm>>
    tpu.wait_indirect_dma semaphore(%arg15 : memref<!tpu.dma_semaphore, #tpu.memory_space<semaphore_mem>>) src(%dma_wait3A_70 : memref<100000x128xf32, #tpu.memory_space<hbm>>) dst(%dma_wait3A_65 : memref<128x128xf32, #tpu.memory_space<vmem>>)
    %mul3A_71 = arith.constant 1280 : i32
    %mul3A_72 = arith.muli %add3A, %mul3A_71 : i32
    %add3A_73 = arith.constant 0 : i32
    %add3A_74 = arith.addi %mul3A_72, %add3A_73 : i32
    %dma_start3A_75 = arith.constant 0 : i32
    %dma_start3A_76 = arith.constant 0 : i32
    %dma_start3A_77 = arith.constant 0 : i32
    %dma_start3A_78 = tpu.memref_slice %arg12[%dma_start3A_75, %dma_start3A_76, %dma_start3A_77] : memref<6x128x128xf32, #tpu.memory_space<vmem>> -> memref<1x128x128xf32, #tpu.memory_space<vmem>>
    %dma_start3A_79 = tpu.memref_squeeze %dma_start3A_78 : memref<1x128x128xf32, #tpu.memory_space<vmem>> -> memref<128x128xf32, #tpu.memory_space<vmem>>
    %dma_start3A_80 = arith.constant 0 : i32
    %dma_start3A_81 = tpu.memref_slice %arg7[%add3A_74, %dma_start3A_80] : memref<40960x128xf32, #tpu.memory_space<hbm>> -> memref<128x128xf32, #tpu.memory_space<hbm>>
    %dma_start3A_82 = arith.constant 0 : i32
    %dma_start3A_83 = tpu.memref_slice %arg7[%add3A_74, %dma_start3A_82] : memref<40960x128xf32, #tpu.memory_space<hbm>> -> memref<128x128xf32, #tpu.memory_space<hbm>>
    %dma_start3A_84 = arith.constant 0 : i32
    %dma_start3A_85 = arith.constant 0 : i32
    %dma_start3A_86 = tpu.memref_slice %arg12[%dma_start3A_75, %dma_start3A_84, %dma_start3A_85] : memref<6x128x128xf32, #tpu.memory_space<vmem>> -> memref<1x128x128xf32, #tpu.memory_space<vmem>>
    %dma_start3A_87 = tpu.memref_squeeze %dma_start3A_86 : memref<1x128x128xf32, #tpu.memory_space<vmem>> -> memref<128x128xf32, #tpu.memory_space<vmem>>
    tpu.enqueue_dma source(%dma_start3A_87 : memref<128x128xf32, #tpu.memory_space<vmem>>) target(%dma_start3A_83 : memref<128x128xf32, #tpu.memory_space<hbm>>) target_semaphore(%arg21 : memref<!tpu.dma_semaphore, #tpu.memory_space<semaphore_mem>>)
    %dma_wait3A_88 = arith.constant 0 : i32
    %dma_wait3A_89 = arith.constant 0 : i32
    %dma_wait3A_90 = arith.constant 0 : i32
    %dma_wait3A_91 = tpu.memref_slice %arg12[%dma_wait3A_88, %dma_wait3A_89, %dma_wait3A_90] : memref<6x128x128xf32, #tpu.memory_space<vmem>> -> memref<1x128x128xf32, #tpu.memory_space<vmem>>
    %dma_wait3A_92 = tpu.memref_squeeze %dma_wait3A_91 : memref<1x128x128xf32, #tpu.memory_space<vmem>> -> memref<128x128xf32, #tpu.memory_space<vmem>>
    %dma_wait3A_93 = arith.constant 0 : i32
    %dma_wait3A_94 = tpu.memref_slice %arg7[%add3A_74, %dma_wait3A_93] : memref<40960x128xf32, #tpu.memory_space<hbm>> -> memref<128x128xf32, #tpu.memory_space<hbm>>
    %dma_wait3A_95 = arith.constant 0 : i32
    %dma_wait3A_96 = tpu.memref_slice %arg7[%add3A_74, %dma_wait3A_95] : memref<40960x128xf32, #tpu.memory_space<hbm>> -> memref<128x128xf32, #tpu.memory_space<hbm>>
    %dma_wait3A_97 = arith.constant 0 : i32
    %dma_wait3A_98 = arith.constant 0 : i32
    %dma_wait3A_99 = tpu.memref_slice %arg12[%dma_wait3A_88, %dma_wait3A_97, %dma_wait3A_98] : memref<6x128x128xf32, #tpu.memory_space<vmem>> -> memref<1x128x128xf32, #tpu.memory_space<vmem>>
    %dma_wait3A_100 = tpu.memref_squeeze %dma_wait3A_99 : memref<1x128x128xf32, #tpu.memory_space<vmem>> -> memref<128x128xf32, #tpu.memory_space<vmem>>
    tpu.wait_dma2 semaphore(%arg21 : memref<!tpu.dma_semaphore, #tpu.memory_space<semaphore_mem>>) src(%dma_wait3A_100 : memref<128x128xf32, #tpu.memory_space<vmem>>) dst(%dma_wait3A_96 : memref<128x128xf32, #tpu.memory_space<hbm>>)
    %dma_start3A_101 = arith.constant 0 : i32
    %dma_start3A_102 = arith.constant 0 : i32
    %dma_start3A_103 = arith.constant 0 : i32
    %dma_start3A_104 = tpu.memref_slice %arg12[%dma_start3A_101, %dma_start3A_102, %dma_start3A_103] : memref<6x128x128xf32, #tpu.memory_space<vmem>> -> memref<1x128x128xf32, #tpu.memory_space<vmem>>
    %dma_start3A_105 = tpu.memref_squeeze %dma_start3A_104 : memref<1x128x128xf32, #tpu.memory_space<vmem>> -> memref<128x128xf32, #tpu.memory_space<vmem>>
    %dma_start3A_106 = arith.constant 768 : i32
    %dma_start3A_107 = tpu.memref_slice %arg10[%dma_start3A_106] : memref<1280xi32, #tpu.memory_space<vmem>> -> memref<128xi32, #tpu.memory_space<vmem>>
    %dma_start3A_108 = arith.constant 0 : i32
    %dma_start3A_109 = arith.constant 0 : i32
    %dma_start3A_110 = tpu.memref_slice %arg2[%dma_start3A_108, %dma_start3A_109] : memref<100000x128xf32, #tpu.memory_space<hbm>> -> memref<100000x128xf32, #tpu.memory_space<hbm>>
    tpu.enqueue_indirect_dma source(%dma_start3A_110 : memref<100000x128xf32, #tpu.memory_space<hbm>>) target(%dma_start3A_105 : memref<128x128xf32, #tpu.memory_space<vmem>>) offsets(%dma_start3A_107 : memref<128xi32, #tpu.memory_space<vmem>>) semaphore(%arg15 : memref<!tpu.dma_semaphore, #tpu.memory_space<semaphore_mem>>)
    %dma_wait3A_111 = arith.constant 1 : i32
    %dma_wait3A_112 = arith.constant 0 : i32
    %dma_wait3A_113 = arith.constant 0 : i32
    %dma_wait3A_114 = tpu.memref_slice %arg12[%dma_wait3A_111, %dma_wait3A_112, %dma_wait3A_113] : memref<6x128x128xf32, #tpu.memory_space<vmem>> -> memref<1x128x128xf32, #tpu.memory_space<vmem>>
    %dma_wait3A_115 = tpu.memref_squeeze %dma_wait3A_114 : memref<1x128x128xf32, #tpu.memory_space<vmem>> -> memref<128x128xf32, #tpu.memory_space<vmem>>
    %dma_wait3A_116 = arith.constant 128 : i32
    %dma_wait3A_117 = tpu.memref_slice %arg10[%dma_wait3A_116] : memref<1280xi32, #tpu.memory_space<vmem>> -> memref<128xi32, #tpu.memory_space<vmem>>
    %dma_wait3A_118 = arith.constant 0 : i32
    %dma_wait3A_119 = arith.constant 0 : i32
    %dma_wait3A_120 = tpu.memref_slice %arg2[%dma_wait3A_118, %dma_wait3A_119] : memref<100000x128xf32, #tpu.memory_space<hbm>> -> memref<100000x128xf32, #tpu.memory_space<hbm>>
    tpu.wait_indirect_dma semaphore(%arg16 : memref<!tpu.dma_semaphore, #tpu.memory_space<semaphore_mem>>) src(%dma_wait3A_120 : memref<100000x128xf32, #tpu.memory_space<hbm>>) dst(%dma_wait3A_115 : memref<128x128xf32, #tpu.memory_space<vmem>>)
    %mul3A_121 = arith.constant 1280 : i32
    %mul3A_122 = arith.muli %add3A, %mul3A_121 : i32
    %add3A_123 = arith.constant 128 : i32
    %add3A_124 = arith.addi %mul3A_122, %add3A_123 : i32
    %dma_start3A_125 = arith.constant 1 : i32
    %dma_start3A_126 = arith.constant 0 : i32
    %dma_start3A_127 = arith.constant 0 : i32
    %dma_start3A_128 = tpu.memref_slice %arg12[%dma_start3A_125, %dma_start3A_126, %dma_start3A_127] : memref<6x128x128xf32, #tpu.memory_space<vmem>> -> memref<1x128x128xf32, #tpu.memory_space<vmem>>
    %dma_start3A_129 = tpu.memref_squeeze %dma_start3A_128 : memref<1x128x128xf32, #tpu.memory_space<vmem>> -> memref<128x128xf32, #tpu.memory_space<vmem>>
    %dma_start3A_130 = arith.constant 0 : i32
    %dma_start3A_131 = tpu.memref_slice %arg7[%add3A_124, %dma_start3A_130] : memref<40960x128xf32, #tpu.memory_space<hbm>> -> memref<128x128xf32, #tpu.memory_space<hbm>>
    %dma_start3A_132 = arith.constant 0 : i32
    %dma_start3A_133 = tpu.memref_slice %arg7[%add3A_124, %dma_start3A_132] : memref<40960x128xf32, #tpu.memory_space<hbm>> -> memref<128x128xf32, #tpu.memory_space<hbm>>
    %dma_start3A_134 = arith.constant 0 : i32
    %dma_start3A_135 = arith.constant 0 : i32
    %dma_start3A_136 = tpu.memref_slice %arg12[%dma_start3A_125, %dma_start3A_134, %dma_start3A_135] : memref<6x128x128xf32, #tpu.memory_space<vmem>> -> memref<1x128x128xf32, #tpu.memory_space<vmem>>
    %dma_start3A_137 = tpu.memref_squeeze %dma_start3A_136 : memref<1x128x128xf32, #tpu.memory_space<vmem>> -> memref<128x128xf32, #tpu.memory_space<vmem>>
    tpu.enqueue_dma source(%dma_start3A_137 : memref<128x128xf32, #tpu.memory_space<vmem>>) target(%dma_start3A_133 : memref<128x128xf32, #tpu.memory_space<hbm>>) target_semaphore(%arg22 : memref<!tpu.dma_semaphore, #tpu.memory_space<semaphore_mem>>)
    %dma_wait3A_138 = arith.constant 1 : i32
    %dma_wait3A_139 = arith.constant 0 : i32
    %dma_wait3A_140 = arith.constant 0 : i32
    %dma_wait3A_141 = tpu.memref_slice %arg12[%dma_wait3A_138, %dma_wait3A_139, %dma_wait3A_140] : memref<6x128x128xf32, #tpu.memory_space<vmem>> -> memref<1x128x128xf32, #tpu.memory_space<vmem>>
    %dma_wait3A_142 = tpu.memref_squeeze %dma_wait3A_141 : memref<1x128x128xf32, #tpu.memory_space<vmem>> -> memref<128x128xf32, #tpu.memory_space<vmem>>
    %dma_wait3A_143 = arith.constant 0 : i32
    %dma_wait3A_144 = tpu.memref_slice %arg7[%add3A_124, %dma_wait3A_143] : memref<40960x128xf32, #tpu.memory_space<hbm>> -> memref<128x128xf32, #tpu.memory_space<hbm>>
    %dma_wait3A_145 = arith.constant 0 : i32
    %dma_wait3A_146 = tpu.memref_slice %arg7[%add3A_124, %dma_wait3A_145] : memref<40960x128xf32, #tpu.memory_space<hbm>> -> memref<128x128xf32, #tpu.memory_space<hbm>>
    %dma_wait3A_147 = arith.constant 0 : i32
    %dma_wait3A_148 = arith.constant 0 : i32
    %dma_wait3A_149 = tpu.memref_slice %arg12[%dma_wait3A_138, %dma_wait3A_147, %dma_wait3A_148] : memref<6x128x128xf32, #tpu.memory_space<vmem>> -> memref<1x128x128xf32, #tpu.memory_space<vmem>>
    %dma_wait3A_150 = tpu.memref_squeeze %dma_wait3A_149 : memref<1x128x128xf32, #tpu.memory_space<vmem>> -> memref<128x128xf32, #tpu.memory_space<vmem>>
    tpu.wait_dma2 semaphore(%arg22 : memref<!tpu.dma_semaphore, #tpu.memory_space<semaphore_mem>>) src(%dma_wait3A_150 : memref<128x128xf32, #tpu.memory_space<vmem>>) dst(%dma_wait3A_146 : memref<128x128xf32, #tpu.memory_space<hbm>>)
    %dma_start3A_151 = arith.constant 1 : i32
    %dma_start3A_152 = arith.constant 0 : i32
    %dma_start3A_153 = arith.constant 0 : i32
    %dma_start3A_154 = tpu.memref_slice %arg12[%dma_start3A_151, %dma_start3A_152, %dma_start3A_153] : memref<6x128x128xf32, #tpu.memory_space<vmem>> -> memref<1x128x128xf32, #tpu.memory_space<vmem>>
    %dma_start3A_155 = tpu.memref_squeeze %dma_start3A_154 : memref<1x128x128xf32, #tpu.memory_space<vmem>> -> memref<128x128xf32, #tpu.memory_space<vmem>>
    %dma_start3A_156 = arith.constant 896 : i32
    %dma_start3A_157 = tpu.memref_slice %arg10[%dma_start3A_156] : memref<1280xi32, #tpu.memory_space<vmem>> -> memref<128xi32, #tpu.memory_space<vmem>>
    %dma_start3A_158 = arith.constant 0 : i32
    %dma_start3A_159 = arith.constant 0 : i32
    %dma_start3A_160 = tpu.memref_slice %arg2[%dma_start3A_158, %dma_start3A_159] : memref<100000x128xf32, #tpu.memory_space<hbm>> -> memref<100000x128xf32, #tpu.memory_space<hbm>>
    tpu.enqueue_indirect_dma source(%dma_start3A_160 : memref<100000x128xf32, #tpu.memory_space<hbm>>) target(%dma_start3A_155 : memref<128x128xf32, #tpu.memory_space<vmem>>) offsets(%dma_start3A_157 : memref<128xi32, #tpu.memory_space<vmem>>) semaphore(%arg16 : memref<!tpu.dma_semaphore, #tpu.memory_space<semaphore_mem>>)
    %dma_wait3A_161 = arith.constant 2 : i32
    %dma_wait3A_162 = arith.constant 0 : i32
    %dma_wait3A_163 = arith.constant 0 : i32
    %dma_wait3A_164 = tpu.memref_slice %arg12[%dma_wait3A_161, %dma_wait3A_162, %dma_wait3A_163] : memref<6x128x128xf32, #tpu.memory_space<vmem>> -> memref<1x128x128xf32, #tpu.memory_space<vmem>>
    %dma_wait3A_165 = tpu.memref_squeeze %dma_wait3A_164 : memref<1x128x128xf32, #tpu.memory_space<vmem>> -> memref<128x128xf32, #tpu.memory_space<vmem>>
    %dma_wait3A_166 = arith.constant 256 : i32
    %dma_wait3A_167 = tpu.memref_slice %arg10[%dma_wait3A_166] : memref<1280xi32, #tpu.memory_space<vmem>> -> memref<128xi32, #tpu.memory_space<vmem>>
    %dma_wait3A_168 = arith.constant 0 : i32
    %dma_wait3A_169 = arith.constant 0 : i32
    %dma_wait3A_170 = tpu.memref_slice %arg2[%dma_wait3A_168, %dma_wait3A_169] : memref<100000x128xf32, #tpu.memory_space<hbm>> -> memref<100000x128xf32, #tpu.memory_space<hbm>>
    tpu.wait_indirect_dma semaphore(%arg17 : memref<!tpu.dma_semaphore, #tpu.memory_space<semaphore_mem>>) src(%dma_wait3A_170 : memref<100000x128xf32, #tpu.memory_space<hbm>>) dst(%dma_wait3A_165 : memref<128x128xf32, #tpu.memory_space<vmem>>)
    %mul3A_171 = arith.constant 1280 : i32
    %mul3A_172 = arith.muli %add3A, %mul3A_171 : i32
    %add3A_173 = arith.constant 256 : i32
    %add3A_174 = arith.addi %mul3A_172, %add3A_173 : i32
    %dma_start3A_175 = arith.constant 2 : i32
    %dma_start3A_176 = arith.constant 0 : i32
    %dma_start3A_177 = arith.constant 0 : i32
    %dma_start3A_178 = tpu.memref_slice %arg12[%dma_start3A_175, %dma_start3A_176, %dma_start3A_177] : memref<6x128x128xf32, #tpu.memory_space<vmem>> -> memref<1x128x128xf32, #tpu.memory_space<vmem>>
    %dma_start3A_179 = tpu.memref_squeeze %dma_start3A_178 : memref<1x128x128xf32, #tpu.memory_space<vmem>> -> memref<128x128xf32, #tpu.memory_space<vmem>>
    %dma_start3A_180 = arith.constant 0 : i32
    %dma_start3A_181 = tpu.memref_slice %arg7[%add3A_174, %dma_start3A_180] : memref<40960x128xf32, #tpu.memory_space<hbm>> -> memref<128x128xf32, #tpu.memory_space<hbm>>
    %dma_start3A_182 = arith.constant 0 : i32
    %dma_start3A_183 = tpu.memref_slice %arg7[%add3A_174, %dma_start3A_182] : memref<40960x128xf32, #tpu.memory_space<hbm>> -> memref<128x128xf32, #tpu.memory_space<hbm>>
    %dma_start3A_184 = arith.constant 0 : i32
    %dma_start3A_185 = arith.constant 0 : i32
    %dma_start3A_186 = tpu.memref_slice %arg12[%dma_start3A_175, %dma_start3A_184, %dma_start3A_185] : memref<6x128x128xf32, #tpu.memory_space<vmem>> -> memref<1x128x128xf32, #tpu.memory_space<vmem>>
    %dma_start3A_187 = tpu.memref_squeeze %dma_start3A_186 : memref<1x128x128xf32, #tpu.memory_space<vmem>> -> memref<128x128xf32, #tpu.memory_space<vmem>>
    tpu.enqueue_dma source(%dma_start3A_187 : memref<128x128xf32, #tpu.memory_space<vmem>>) target(%dma_start3A_183 : memref<128x128xf32, #tpu.memory_space<hbm>>) target_semaphore(%arg23 : memref<!tpu.dma_semaphore, #tpu.memory_space<semaphore_mem>>)
    %dma_wait3A_188 = arith.constant 2 : i32
    %dma_wait3A_189 = arith.constant 0 : i32
    %dma_wait3A_190 = arith.constant 0 : i32
    %dma_wait3A_191 = tpu.memref_slice %arg12[%dma_wait3A_188, %dma_wait3A_189, %dma_wait3A_190] : memref<6x128x128xf32, #tpu.memory_space<vmem>> -> memref<1x128x128xf32, #tpu.memory_space<vmem>>
    %dma_wait3A_192 = tpu.memref_squeeze %dma_wait3A_191 : memref<1x128x128xf32, #tpu.memory_space<vmem>> -> memref<128x128xf32, #tpu.memory_space<vmem>>
    %dma_wait3A_193 = arith.constant 0 : i32
    %dma_wait3A_194 = tpu.memref_slice %arg7[%add3A_174, %dma_wait3A_193] : memref<40960x128xf32, #tpu.memory_space<hbm>> -> memref<128x128xf32, #tpu.memory_space<hbm>>
    %dma_wait3A_195 = arith.constant 0 : i32
    %dma_wait3A_196 = tpu.memref_slice %arg7[%add3A_174, %dma_wait3A_195] : memref<40960x128xf32, #tpu.memory_space<hbm>> -> memref<128x128xf32, #tpu.memory_space<hbm>>
    %dma_wait3A_197 = arith.constant 0 : i32
    %dma_wait3A_198 = arith.constant 0 : i32
    %dma_wait3A_199 = tpu.memref_slice %arg12[%dma_wait3A_188, %dma_wait3A_197, %dma_wait3A_198] : memref<6x128x128xf32, #tpu.memory_space<vmem>> -> memref<1x128x128xf32, #tpu.memory_space<vmem>>
    %dma_wait3A_200 = tpu.memref_squeeze %dma_wait3A_199 : memref<1x128x128xf32, #tpu.memory_space<vmem>> -> memref<128x128xf32, #tpu.memory_space<vmem>>
    tpu.wait_dma2 semaphore(%arg23 : memref<!tpu.dma_semaphore, #tpu.memory_space<semaphore_mem>>) src(%dma_wait3A_200 : memref<128x128xf32, #tpu.memory_space<vmem>>) dst(%dma_wait3A_196 : memref<128x128xf32, #tpu.memory_space<hbm>>)
    %dma_start3A_201 = arith.constant 2 : i32
    %dma_start3A_202 = arith.constant 0 : i32
    %dma_start3A_203 = arith.constant 0 : i32
    %dma_start3A_204 = tpu.memref_slice %arg12[%dma_start3A_201, %dma_start3A_202, %dma_start3A_203] : memref<6x128x128xf32, #tpu.memory_space<vmem>> -> memref<1x128x128xf32, #tpu.memory_space<vmem>>
    %dma_start3A_205 = tpu.memref_squeeze %dma_start3A_204 : memref<1x128x128xf32, #tpu.memory_space<vmem>> -> memref<128x128xf32, #tpu.memory_space<vmem>>
    %dma_start3A_206 = arith.constant 1024 : i32
    %dma_start3A_207 = tpu.memref_slice %arg10[%dma_start3A_206] : memref<1280xi32, #tpu.memory_space<vmem>> -> memref<128xi32, #tpu.memory_space<vmem>>
    %dma_start3A_208 = arith.constant 0 : i32
    %dma_start3A_209 = arith.constant 0 : i32
    %dma_start3A_210 = tpu.memref_slice %arg2[%dma_start3A_208, %dma_start3A_209] : memref<100000x128xf32, #tpu.memory_space<hbm>> -> memref<100000x128xf32, #tpu.memory_space<hbm>>
    tpu.enqueue_indirect_dma source(%dma_start3A_210 : memref<100000x128xf32, #tpu.memory_space<hbm>>) target(%dma_start3A_205 : memref<128x128xf32, #tpu.memory_space<vmem>>) offsets(%dma_start3A_207 : memref<128xi32, #tpu.memory_space<vmem>>) semaphore(%arg17 : memref<!tpu.dma_semaphore, #tpu.memory_space<semaphore_mem>>)
    %dma_wait3A_211 = arith.constant 3 : i32
    %dma_wait3A_212 = arith.constant 0 : i32
    %dma_wait3A_213 = arith.constant 0 : i32
    %dma_wait3A_214 = tpu.memref_slice %arg12[%dma_wait3A_211, %dma_wait3A_212, %dma_wait3A_213] : memref<6x128x128xf32, #tpu.memory_space<vmem>> -> memref<1x128x128xf32, #tpu.memory_space<vmem>>
    %dma_wait3A_215 = tpu.memref_squeeze %dma_wait3A_214 : memref<1x128x128xf32, #tpu.memory_space<vmem>> -> memref<128x128xf32, #tpu.memory_space<vmem>>
    %dma_wait3A_216 = arith.constant 384 : i32
    %dma_wait3A_217 = tpu.memref_slice %arg10[%dma_wait3A_216] : memref<1280xi32, #tpu.memory_space<vmem>> -> memref<128xi32, #tpu.memory_space<vmem>>
    %dma_wait3A_218 = arith.constant 0 : i32
    %dma_wait3A_219 = arith.constant 0 : i32
    %dma_wait3A_220 = tpu.memref_slice %arg2[%dma_wait3A_218, %dma_wait3A_219] : memref<100000x128xf32, #tpu.memory_space<hbm>> -> memref<100000x128xf32, #tpu.memory_space<hbm>>
    tpu.wait_indirect_dma semaphore(%arg18 : memref<!tpu.dma_semaphore, #tpu.memory_space<semaphore_mem>>) src(%dma_wait3A_220 : memref<100000x128xf32, #tpu.memory_space<hbm>>) dst(%dma_wait3A_215 : memref<128x128xf32, #tpu.memory_space<vmem>>)
    %mul3A_221 = arith.constant 1280 : i32
    %mul3A_222 = arith.muli %add3A, %mul3A_221 : i32
    %add3A_223 = arith.constant 384 : i32
    %add3A_224 = arith.addi %mul3A_222, %add3A_223 : i32
    %dma_start3A_225 = arith.constant 3 : i32
    %dma_start3A_226 = arith.constant 0 : i32
    %dma_start3A_227 = arith.constant 0 : i32
    %dma_start3A_228 = tpu.memref_slice %arg12[%dma_start3A_225, %dma_start3A_226, %dma_start3A_227] : memref<6x128x128xf32, #tpu.memory_space<vmem>> -> memref<1x128x128xf32, #tpu.memory_space<vmem>>
    %dma_start3A_229 = tpu.memref_squeeze %dma_start3A_228 : memref<1x128x128xf32, #tpu.memory_space<vmem>> -> memref<128x128xf32, #tpu.memory_space<vmem>>
    %dma_start3A_230 = arith.constant 0 : i32
    %dma_start3A_231 = tpu.memref_slice %arg7[%add3A_224, %dma_start3A_230] : memref<40960x128xf32, #tpu.memory_space<hbm>> -> memref<128x128xf32, #tpu.memory_space<hbm>>
    %dma_start3A_232 = arith.constant 0 : i32
    %dma_start3A_233 = tpu.memref_slice %arg7[%add3A_224, %dma_start3A_232] : memref<40960x128xf32, #tpu.memory_space<hbm>> -> memref<128x128xf32, #tpu.memory_space<hbm>>
    %dma_start3A_234 = arith.constant 0 : i32
    %dma_start3A_235 = arith.constant 0 : i32
    %dma_start3A_236 = tpu.memref_slice %arg12[%dma_start3A_225, %dma_start3A_234, %dma_start3A_235] : memref<6x128x128xf32, #tpu.memory_space<vmem>> -> memref<1x128x128xf32, #tpu.memory_space<vmem>>
    %dma_start3A_237 = tpu.memref_squeeze %dma_start3A_236 : memref<1x128x128xf32, #tpu.memory_space<vmem>> -> memref<128x128xf32, #tpu.memory_space<vmem>>
    tpu.enqueue_dma source(%dma_start3A_237 : memref<128x128xf32, #tpu.memory_space<vmem>>) target(%dma_start3A_233 : memref<128x128xf32, #tpu.memory_space<hbm>>) target_semaphore(%arg24 : memref<!tpu.dma_semaphore, #tpu.memory_space<semaphore_mem>>)
    %dma_wait3A_238 = arith.constant 3 : i32
    %dma_wait3A_239 = arith.constant 0 : i32
    %dma_wait3A_240 = arith.constant 0 : i32
    %dma_wait3A_241 = tpu.memref_slice %arg12[%dma_wait3A_238, %dma_wait3A_239, %dma_wait3A_240] : memref<6x128x128xf32, #tpu.memory_space<vmem>> -> memref<1x128x128xf32, #tpu.memory_space<vmem>>
    %dma_wait3A_242 = tpu.memref_squeeze %dma_wait3A_241 : memref<1x128x128xf32, #tpu.memory_space<vmem>> -> memref<128x128xf32, #tpu.memory_space<vmem>>
    %dma_wait3A_243 = arith.constant 0 : i32
    %dma_wait3A_244 = tpu.memref_slice %arg7[%add3A_224, %dma_wait3A_243] : memref<40960x128xf32, #tpu.memory_space<hbm>> -> memref<128x128xf32, #tpu.memory_space<hbm>>
    %dma_wait3A_245 = arith.constant 0 : i32
    %dma_wait3A_246 = tpu.memref_slice %arg7[%add3A_224, %dma_wait3A_245] : memref<40960x128xf32, #tpu.memory_space<hbm>> -> memref<128x128xf32, #tpu.memory_space<hbm>>
    %dma_wait3A_247 = arith.constant 0 : i32
    %dma_wait3A_248 = arith.constant 0 : i32
    %dma_wait3A_249 = tpu.memref_slice %arg12[%dma_wait3A_238, %dma_wait3A_247, %dma_wait3A_248] : memref<6x128x128xf32, #tpu.memory_space<vmem>> -> memref<1x128x128xf32, #tpu.memory_space<vmem>>
    %dma_wait3A_250 = tpu.memref_squeeze %dma_wait3A_249 : memref<1x128x128xf32, #tpu.memory_space<vmem>> -> memref<128x128xf32, #tpu.memory_space<vmem>>
    tpu.wait_dma2 semaphore(%arg24 : memref<!tpu.dma_semaphore, #tpu.memory_space<semaphore_mem>>) src(%dma_wait3A_250 : memref<128x128xf32, #tpu.memory_space<vmem>>) dst(%dma_wait3A_246 : memref<128x128xf32, #tpu.memory_space<hbm>>)
    %dma_start3A_251 = arith.constant 3 : i32
    %dma_start3A_252 = arith.constant 0 : i32
    %dma_start3A_253 = arith.constant 0 : i32
    %dma_start3A_254 = tpu.memref_slice %arg12[%dma_start3A_251, %dma_start3A_252, %dma_start3A_253] : memref<6x128x128xf32, #tpu.memory_space<vmem>> -> memref<1x128x128xf32, #tpu.memory_space<vmem>>
    %dma_start3A_255 = tpu.memref_squeeze %dma_start3A_254 : memref<1x128x128xf32, #tpu.memory_space<vmem>> -> memref<128x128xf32, #tpu.memory_space<vmem>>
    %dma_start3A_256 = arith.constant 1152 : i32
    %dma_start3A_257 = tpu.memref_slice %arg10[%dma_start3A_256] : memref<1280xi32, #tpu.memory_space<vmem>> -> memref<128xi32, #tpu.memory_space<vmem>>
    %dma_start3A_258 = arith.constant 0 : i32
    %dma_start3A_259 = arith.constant 0 : i32
    %dma_start3A_260 = tpu.memref_slice %arg2[%dma_start3A_258, %dma_start3A_259] : memref<100000x128xf32, #tpu.memory_space<hbm>> -> memref<100000x128xf32, #tpu.memory_space<hbm>>
    tpu.enqueue_indirect_dma source(%dma_start3A_260 : memref<100000x128xf32, #tpu.memory_space<hbm>>) target(%dma_start3A_255 : memref<128x128xf32, #tpu.memory_space<vmem>>) offsets(%dma_start3A_257 : memref<128xi32, #tpu.memory_space<vmem>>) semaphore(%arg18 : memref<!tpu.dma_semaphore, #tpu.memory_space<semaphore_mem>>)
    %dma_wait3A_261 = arith.constant 4 : i32
    %dma_wait3A_262 = arith.constant 0 : i32
    %dma_wait3A_263 = arith.constant 0 : i32
    %dma_wait3A_264 = tpu.memref_slice %arg12[%dma_wait3A_261, %dma_wait3A_262, %dma_wait3A_263] : memref<6x128x128xf32, #tpu.memory_space<vmem>> -> memref<1x128x128xf32, #tpu.memory_space<vmem>>
    %dma_wait3A_265 = tpu.memref_squeeze %dma_wait3A_264 : memref<1x128x128xf32, #tpu.memory_space<vmem>> -> memref<128x128xf32, #tpu.memory_space<vmem>>
    %dma_wait3A_266 = arith.constant 512 : i32
    %dma_wait3A_267 = tpu.memref_slice %arg10[%dma_wait3A_266] : memref<1280xi32, #tpu.memory_space<vmem>> -> memref<128xi32, #tpu.memory_space<vmem>>
    %dma_wait3A_268 = arith.constant 0 : i32
    %dma_wait3A_269 = arith.constant 0 : i32
    %dma_wait3A_270 = tpu.memref_slice %arg2[%dma_wait3A_268, %dma_wait3A_269] : memref<100000x128xf32, #tpu.memory_space<hbm>> -> memref<100000x128xf32, #tpu.memory_space<hbm>>
    tpu.wait_indirect_dma semaphore(%arg19 : memref<!tpu.dma_semaphore, #tpu.memory_space<semaphore_mem>>) src(%dma_wait3A_270 : memref<100000x128xf32, #tpu.memory_space<hbm>>) dst(%dma_wait3A_265 : memref<128x128xf32, #tpu.memory_space<vmem>>)
    %mul3A_271 = arith.constant 1280 : i32
    %mul3A_272 = arith.muli %add3A, %mul3A_271 : i32
    %add3A_273 = arith.constant 512 : i32
    %add3A_274 = arith.addi %mul3A_272, %add3A_273 : i32
    %dma_start3A_275 = arith.constant 4 : i32
    %dma_start3A_276 = arith.constant 0 : i32
    %dma_start3A_277 = arith.constant 0 : i32
    %dma_start3A_278 = tpu.memref_slice %arg12[%dma_start3A_275, %dma_start3A_276, %dma_start3A_277] : memref<6x128x128xf32, #tpu.memory_space<vmem>> -> memref<1x128x128xf32, #tpu.memory_space<vmem>>
    %dma_start3A_279 = tpu.memref_squeeze %dma_start3A_278 : memref<1x128x128xf32, #tpu.memory_space<vmem>> -> memref<128x128xf32, #tpu.memory_space<vmem>>
    %dma_start3A_280 = arith.constant 0 : i32
    %dma_start3A_281 = tpu.memref_slice %arg7[%add3A_274, %dma_start3A_280] : memref<40960x128xf32, #tpu.memory_space<hbm>> -> memref<128x128xf32, #tpu.memory_space<hbm>>
    %dma_start3A_282 = arith.constant 0 : i32
    %dma_start3A_283 = tpu.memref_slice %arg7[%add3A_274, %dma_start3A_282] : memref<40960x128xf32, #tpu.memory_space<hbm>> -> memref<128x128xf32, #tpu.memory_space<hbm>>
    %dma_start3A_284 = arith.constant 0 : i32
    %dma_start3A_285 = arith.constant 0 : i32
    %dma_start3A_286 = tpu.memref_slice %arg12[%dma_start3A_275, %dma_start3A_284, %dma_start3A_285] : memref<6x128x128xf32, #tpu.memory_space<vmem>> -> memref<1x128x128xf32, #tpu.memory_space<vmem>>
    %dma_start3A_287 = tpu.memref_squeeze %dma_start3A_286 : memref<1x128x128xf32, #tpu.memory_space<vmem>> -> memref<128x128xf32, #tpu.memory_space<vmem>>
    tpu.enqueue_dma source(%dma_start3A_287 : memref<128x128xf32, #tpu.memory_space<vmem>>) target(%dma_start3A_283 : memref<128x128xf32, #tpu.memory_space<hbm>>) target_semaphore(%arg25 : memref<!tpu.dma_semaphore, #tpu.memory_space<semaphore_mem>>)
    %dma_wait3A_288 = arith.constant 5 : i32
    %dma_wait3A_289 = arith.constant 0 : i32
    %dma_wait3A_290 = arith.constant 0 : i32
    %dma_wait3A_291 = tpu.memref_slice %arg12[%dma_wait3A_288, %dma_wait3A_289, %dma_wait3A_290] : memref<6x128x128xf32, #tpu.memory_space<vmem>> -> memref<1x128x128xf32, #tpu.memory_space<vmem>>
    %dma_wait3A_292 = tpu.memref_squeeze %dma_wait3A_291 : memref<1x128x128xf32, #tpu.memory_space<vmem>> -> memref<128x128xf32, #tpu.memory_space<vmem>>
    %dma_wait3A_293 = arith.constant 640 : i32
    %dma_wait3A_294 = tpu.memref_slice %arg10[%dma_wait3A_293] : memref<1280xi32, #tpu.memory_space<vmem>> -> memref<128xi32, #tpu.memory_space<vmem>>
    %dma_wait3A_295 = arith.constant 0 : i32
    %dma_wait3A_296 = arith.constant 0 : i32
    %dma_wait3A_297 = tpu.memref_slice %arg2[%dma_wait3A_295, %dma_wait3A_296] : memref<100000x128xf32, #tpu.memory_space<hbm>> -> memref<100000x128xf32, #tpu.memory_space<hbm>>
    tpu.wait_indirect_dma semaphore(%arg20 : memref<!tpu.dma_semaphore, #tpu.memory_space<semaphore_mem>>) src(%dma_wait3A_297 : memref<100000x128xf32, #tpu.memory_space<hbm>>) dst(%dma_wait3A_292 : memref<128x128xf32, #tpu.memory_space<vmem>>)
    %mul3A_298 = arith.constant 1280 : i32
    %mul3A_299 = arith.muli %add3A, %mul3A_298 : i32
    %add3A_300 = arith.constant 640 : i32
    %add3A_301 = arith.addi %mul3A_299, %add3A_300 : i32
    %dma_start3A_302 = arith.constant 5 : i32
    %dma_start3A_303 = arith.constant 0 : i32
    %dma_start3A_304 = arith.constant 0 : i32
    %dma_start3A_305 = tpu.memref_slice %arg12[%dma_start3A_302, %dma_start3A_303, %dma_start3A_304] : memref<6x128x128xf32, #tpu.memory_space<vmem>> -> memref<1x128x128xf32, #tpu.memory_space<vmem>>
    %dma_start3A_306 = tpu.memref_squeeze %dma_start3A_305 : memref<1x128x128xf32, #tpu.memory_space<vmem>> -> memref<128x128xf32, #tpu.memory_space<vmem>>
    %dma_start3A_307 = arith.constant 0 : i32
    %dma_start3A_308 = tpu.memref_slice %arg7[%add3A_301, %dma_start3A_307] : memref<40960x128xf32, #tpu.memory_space<hbm>> -> memref<128x128xf32, #tpu.memory_space<hbm>>
    %dma_start3A_309 = arith.constant 0 : i32
    %dma_start3A_310 = tpu.memref_slice %arg7[%add3A_301, %dma_start3A_309] : memref<40960x128xf32, #tpu.memory_space<hbm>> -> memref<128x128xf32, #tpu.memory_space<hbm>>
    %dma_start3A_311 = arith.constant 0 : i32
    %dma_start3A_312 = arith.constant 0 : i32
    %dma_start3A_313 = tpu.memref_slice %arg12[%dma_start3A_302, %dma_start3A_311, %dma_start3A_312] : memref<6x128x128xf32, #tpu.memory_space<vmem>> -> memref<1x128x128xf32, #tpu.memory_space<vmem>>
    %dma_start3A_314 = tpu.memref_squeeze %dma_start3A_313 : memref<1x128x128xf32, #tpu.memory_space<vmem>> -> memref<128x128xf32, #tpu.memory_space<vmem>>
    tpu.enqueue_dma source(%dma_start3A_314 : memref<128x128xf32, #tpu.memory_space<vmem>>) target(%dma_start3A_310 : memref<128x128xf32, #tpu.memory_space<hbm>>) target_semaphore(%arg26 : memref<!tpu.dma_semaphore, #tpu.memory_space<semaphore_mem>>)
    %dma_wait3A_315 = arith.constant 0 : i32
    %dma_wait3A_316 = arith.constant 0 : i32
    %dma_wait3A_317 = arith.constant 0 : i32
    %dma_wait3A_318 = tpu.memref_slice %arg12[%dma_wait3A_315, %dma_wait3A_316, %dma_wait3A_317] : memref<6x128x128xf32, #tpu.memory_space<vmem>> -> memref<1x128x128xf32, #tpu.memory_space<vmem>>
    %dma_wait3A_319 = tpu.memref_squeeze %dma_wait3A_318 : memref<1x128x128xf32, #tpu.memory_space<vmem>> -> memref<128x128xf32, #tpu.memory_space<vmem>>
    %dma_wait3A_320 = arith.constant 768 : i32
    %dma_wait3A_321 = tpu.memref_slice %arg10[%dma_wait3A_320] : memref<1280xi32, #tpu.memory_space<vmem>> -> memref<128xi32, #tpu.memory_space<vmem>>
    %dma_wait3A_322 = arith.constant 0 : i32
    %dma_wait3A_323 = arith.constant 0 : i32
    %dma_wait3A_324 = tpu.memref_slice %arg2[%dma_wait3A_322, %dma_wait3A_323] : memref<100000x128xf32, #tpu.memory_space<hbm>> -> memref<100000x128xf32, #tpu.memory_space<hbm>>
    tpu.wait_indirect_dma semaphore(%arg15 : memref<!tpu.dma_semaphore, #tpu.memory_space<semaphore_mem>>) src(%dma_wait3A_324 : memref<100000x128xf32, #tpu.memory_space<hbm>>) dst(%dma_wait3A_319 : memref<128x128xf32, #tpu.memory_space<vmem>>)
    %mul3A_325 = arith.constant 1280 : i32
    %mul3A_326 = arith.muli %add3A, %mul3A_325 : i32
    %add3A_327 = arith.constant 768 : i32
    %add3A_328 = arith.addi %mul3A_326, %add3A_327 : i32
    %dma_start3A_329 = arith.constant 0 : i32
    %dma_start3A_330 = arith.constant 0 : i32
    %dma_start3A_331 = arith.constant 0 : i32
    %dma_start3A_332 = tpu.memref_slice %arg12[%dma_start3A_329, %dma_start3A_330, %dma_start3A_331] : memref<6x128x128xf32, #tpu.memory_space<vmem>> -> memref<1x128x128xf32, #tpu.memory_space<vmem>>
    %dma_start3A_333 = tpu.memref_squeeze %dma_start3A_332 : memref<1x128x128xf32, #tpu.memory_space<vmem>> -> memref<128x128xf32, #tpu.memory_space<vmem>>
    %dma_start3A_334 = arith.constant 0 : i32
    %dma_start3A_335 = tpu.memref_slice %arg7[%add3A_328, %dma_start3A_334] : memref<40960x128xf32, #tpu.memory_space<hbm>> -> memref<128x128xf32, #tpu.memory_space<hbm>>
    %dma_start3A_336 = arith.constant 0 : i32
    %dma_start3A_337 = tpu.memref_slice %arg7[%add3A_328, %dma_start3A_336] : memref<40960x128xf32, #tpu.memory_space<hbm>> -> memref<128x128xf32, #tpu.memory_space<hbm>>
    %dma_start3A_338 = arith.constant 0 : i32
    %dma_start3A_339 = arith.constant 0 : i32
    %dma_start3A_340 = tpu.memref_slice %arg12[%dma_start3A_329, %dma_start3A_338, %dma_start3A_339] : memref<6x128x128xf32, #tpu.memory_space<vmem>> -> memref<1x128x128xf32, #tpu.memory_space<vmem>>
    %dma_start3A_341 = tpu.memref_squeeze %dma_start3A_340 : memref<1x128x128xf32, #tpu.memory_space<vmem>> -> memref<128x128xf32, #tpu.memory_space<vmem>>
    tpu.enqueue_dma source(%dma_start3A_341 : memref<128x128xf32, #tpu.memory_space<vmem>>) target(%dma_start3A_337 : memref<128x128xf32, #tpu.memory_space<hbm>>) target_semaphore(%arg21 : memref<!tpu.dma_semaphore, #tpu.memory_space<semaphore_mem>>)
    %dma_wait3A_342 = arith.constant 1 : i32
    %dma_wait3A_343 = arith.constant 0 : i32
    %dma_wait3A_344 = arith.constant 0 : i32
    %dma_wait3A_345 = tpu.memref_slice %arg12[%dma_wait3A_342, %dma_wait3A_343, %dma_wait3A_344] : memref<6x128x128xf32, #tpu.memory_space<vmem>> -> memref<1x128x128xf32, #tpu.memory_space<vmem>>
    %dma_wait3A_346 = tpu.memref_squeeze %dma_wait3A_345 : memref<1x128x128xf32, #tpu.memory_space<vmem>> -> memref<128x128xf32, #tpu.memory_space<vmem>>
    %dma_wait3A_347 = arith.constant 896 : i32
    %dma_wait3A_348 = tpu.memref_slice %arg10[%dma_wait3A_347] : memref<1280xi32, #tpu.memory_space<vmem>> -> memref<128xi32, #tpu.memory_space<vmem>>
    %dma_wait3A_349 = arith.constant 0 : i32
    %dma_wait3A_350 = arith.constant 0 : i32
    %dma_wait3A_351 = tpu.memref_slice %arg2[%dma_wait3A_349, %dma_wait3A_350] : memref<100000x128xf32, #tpu.memory_space<hbm>> -> memref<100000x128xf32, #tpu.memory_space<hbm>>
    tpu.wait_indirect_dma semaphore(%arg16 : memref<!tpu.dma_semaphore, #tpu.memory_space<semaphore_mem>>) src(%dma_wait3A_351 : memref<100000x128xf32, #tpu.memory_space<hbm>>) dst(%dma_wait3A_346 : memref<128x128xf32, #tpu.memory_space<vmem>>)
    %mul3A_352 = arith.constant 1280 : i32
    %mul3A_353 = arith.muli %add3A, %mul3A_352 : i32
    %add3A_354 = arith.constant 896 : i32
    %add3A_355 = arith.addi %mul3A_353, %add3A_354 : i32
    %dma_start3A_356 = arith.constant 1 : i32
    %dma_start3A_357 = arith.constant 0 : i32
    %dma_start3A_358 = arith.constant 0 : i32
    %dma_start3A_359 = tpu.memref_slice %arg12[%dma_start3A_356, %dma_start3A_357, %dma_start3A_358] : memref<6x128x128xf32, #tpu.memory_space<vmem>> -> memref<1x128x128xf32, #tpu.memory_space<vmem>>
    %dma_start3A_360 = tpu.memref_squeeze %dma_start3A_359 : memref<1x128x128xf32, #tpu.memory_space<vmem>> -> memref<128x128xf32, #tpu.memory_space<vmem>>
    %dma_start3A_361 = arith.constant 0 : i32
    %dma_start3A_362 = tpu.memref_slice %arg7[%add3A_355, %dma_start3A_361] : memref<40960x128xf32, #tpu.memory_space<hbm>> -> memref<128x128xf32, #tpu.memory_space<hbm>>
    %dma_start3A_363 = arith.constant 0 : i32
    %dma_start3A_364 = tpu.memref_slice %arg7[%add3A_355, %dma_start3A_363] : memref<40960x128xf32, #tpu.memory_space<hbm>> -> memref<128x128xf32, #tpu.memory_space<hbm>>
    %dma_start3A_365 = arith.constant 0 : i32
    %dma_start3A_366 = arith.constant 0 : i32
    %dma_start3A_367 = tpu.memref_slice %arg12[%dma_start3A_356, %dma_start3A_365, %dma_start3A_366] : memref<6x128x128xf32, #tpu.memory_space<vmem>> -> memref<1x128x128xf32, #tpu.memory_space<vmem>>
    %dma_start3A_368 = tpu.memref_squeeze %dma_start3A_367 : memref<1x128x128xf32, #tpu.memory_space<vmem>> -> memref<128x128xf32, #tpu.memory_space<vmem>>
    tpu.enqueue_dma source(%dma_start3A_368 : memref<128x128xf32, #tpu.memory_space<vmem>>) target(%dma_start3A_364 : memref<128x128xf32, #tpu.memory_space<hbm>>) target_semaphore(%arg22 : memref<!tpu.dma_semaphore, #tpu.memory_space<semaphore_mem>>)
    %dma_wait3A_369 = arith.constant 2 : i32
    %dma_wait3A_370 = arith.constant 0 : i32
    %dma_wait3A_371 = arith.constant 0 : i32
    %dma_wait3A_372 = tpu.memref_slice %arg12[%dma_wait3A_369, %dma_wait3A_370, %dma_wait3A_371] : memref<6x128x128xf32, #tpu.memory_space<vmem>> -> memref<1x128x128xf32, #tpu.memory_space<vmem>>
    %dma_wait3A_373 = tpu.memref_squeeze %dma_wait3A_372 : memref<1x128x128xf32, #tpu.memory_space<vmem>> -> memref<128x128xf32, #tpu.memory_space<vmem>>
    %dma_wait3A_374 = arith.constant 1024 : i32
    %dma_wait3A_375 = tpu.memref_slice %arg10[%dma_wait3A_374] : memref<1280xi32, #tpu.memory_space<vmem>> -> memref<128xi32, #tpu.memory_space<vmem>>
    %dma_wait3A_376 = arith.constant 0 : i32
    %dma_wait3A_377 = arith.constant 0 : i32
    %dma_wait3A_378 = tpu.memref_slice %arg2[%dma_wait3A_376, %dma_wait3A_377] : memref<100000x128xf32, #tpu.memory_space<hbm>> -> memref<100000x128xf32, #tpu.memory_space<hbm>>
    tpu.wait_indirect_dma semaphore(%arg17 : memref<!tpu.dma_semaphore, #tpu.memory_space<semaphore_mem>>) src(%dma_wait3A_378 : memref<100000x128xf32, #tpu.memory_space<hbm>>) dst(%dma_wait3A_373 : memref<128x128xf32, #tpu.memory_space<vmem>>)
    %mul3A_379 = arith.constant 1280 : i32
    %mul3A_380 = arith.muli %add3A, %mul3A_379 : i32
    %add3A_381 = arith.constant 1024 : i32
    %add3A_382 = arith.addi %mul3A_380, %add3A_381 : i32
    %dma_start3A_383 = arith.constant 2 : i32
    %dma_start3A_384 = arith.constant 0 : i32
    %dma_start3A_385 = arith.constant 0 : i32
    %dma_start3A_386 = tpu.memref_slice %arg12[%dma_start3A_383, %dma_start3A_384, %dma_start3A_385] : memref<6x128x128xf32, #tpu.memory_space<vmem>> -> memref<1x128x128xf32, #tpu.memory_space<vmem>>
    %dma_start3A_387 = tpu.memref_squeeze %dma_start3A_386 : memref<1x128x128xf32, #tpu.memory_space<vmem>> -> memref<128x128xf32, #tpu.memory_space<vmem>>
    %dma_start3A_388 = arith.constant 0 : i32
    %dma_start3A_389 = tpu.memref_slice %arg7[%add3A_382, %dma_start3A_388] : memref<40960x128xf32, #tpu.memory_space<hbm>> -> memref<128x128xf32, #tpu.memory_space<hbm>>
    %dma_start3A_390 = arith.constant 0 : i32
    %dma_start3A_391 = tpu.memref_slice %arg7[%add3A_382, %dma_start3A_390] : memref<40960x128xf32, #tpu.memory_space<hbm>> -> memref<128x128xf32, #tpu.memory_space<hbm>>
    %dma_start3A_392 = arith.constant 0 : i32
    %dma_start3A_393 = arith.constant 0 : i32
    %dma_start3A_394 = tpu.memref_slice %arg12[%dma_start3A_383, %dma_start3A_392, %dma_start3A_393] : memref<6x128x128xf32, #tpu.memory_space<vmem>> -> memref<1x128x128xf32, #tpu.memory_space<vmem>>
    %dma_start3A_395 = tpu.memref_squeeze %dma_start3A_394 : memref<1x128x128xf32, #tpu.memory_space<vmem>> -> memref<128x128xf32, #tpu.memory_space<vmem>>
    tpu.enqueue_dma source(%dma_start3A_395 : memref<128x128xf32, #tpu.memory_space<vmem>>) target(%dma_start3A_391 : memref<128x128xf32, #tpu.memory_space<hbm>>) target_semaphore(%arg23 : memref<!tpu.dma_semaphore, #tpu.memory_space<semaphore_mem>>)
    %dma_wait3A_396 = arith.constant 3 : i32
    %dma_wait3A_397 = arith.constant 0 : i32
    %dma_wait3A_398 = arith.constant 0 : i32
    %dma_wait3A_399 = tpu.memref_slice %arg12[%dma_wait3A_396, %dma_wait3A_397, %dma_wait3A_398] : memref<6x128x128xf32, #tpu.memory_space<vmem>> -> memref<1x128x128xf32, #tpu.memory_space<vmem>>
    %dma_wait3A_400 = tpu.memref_squeeze %dma_wait3A_399 : memref<1x128x128xf32, #tpu.memory_space<vmem>> -> memref<128x128xf32, #tpu.memory_space<vmem>>
    %dma_wait3A_401 = arith.constant 1152 : i32
    %dma_wait3A_402 = tpu.memref_slice %arg10[%dma_wait3A_401] : memref<1280xi32, #tpu.memory_space<vmem>> -> memref<128xi32, #tpu.memory_space<vmem>>
    %dma_wait3A_403 = arith.constant 0 : i32
    %dma_wait3A_404 = arith.constant 0 : i32
    %dma_wait3A_405 = tpu.memref_slice %arg2[%dma_wait3A_403, %dma_wait3A_404] : memref<100000x128xf32, #tpu.memory_space<hbm>> -> memref<100000x128xf32, #tpu.memory_space<hbm>>
    tpu.wait_indirect_dma semaphore(%arg18 : memref<!tpu.dma_semaphore, #tpu.memory_space<semaphore_mem>>) src(%dma_wait3A_405 : memref<100000x128xf32, #tpu.memory_space<hbm>>) dst(%dma_wait3A_400 : memref<128x128xf32, #tpu.memory_space<vmem>>)
    %mul3A_406 = arith.constant 1280 : i32
    %mul3A_407 = arith.muli %add3A, %mul3A_406 : i32
    %add3A_408 = arith.constant 1152 : i32
    %add3A_409 = arith.addi %mul3A_407, %add3A_408 : i32
    %dma_start3A_410 = arith.constant 3 : i32
    %dma_start3A_411 = arith.constant 0 : i32
    %dma_start3A_412 = arith.constant 0 : i32
    %dma_start3A_413 = tpu.memref_slice %arg12[%dma_start3A_410, %dma_start3A_411, %dma_start3A_412] : memref<6x128x128xf32, #tpu.memory_space<vmem>> -> memref<1x128x128xf32, #tpu.memory_space<vmem>>
    %dma_start3A_414 = tpu.memref_squeeze %dma_start3A_413 : memref<1x128x128xf32, #tpu.memory_space<vmem>> -> memref<128x128xf32, #tpu.memory_space<vmem>>
    %dma_start3A_415 = arith.constant 0 : i32
    %dma_start3A_416 = tpu.memref_slice %arg7[%add3A_409, %dma_start3A_415] : memref<40960x128xf32, #tpu.memory_space<hbm>> -> memref<128x128xf32, #tpu.memory_space<hbm>>
    %dma_start3A_417 = arith.constant 0 : i32
    %dma_start3A_418 = tpu.memref_slice %arg7[%add3A_409, %dma_start3A_417] : memref<40960x128xf32, #tpu.memory_space<hbm>> -> memref<128x128xf32, #tpu.memory_space<hbm>>
    %dma_start3A_419 = arith.constant 0 : i32
    %dma_start3A_420 = arith.constant 0 : i32
    %dma_start3A_421 = tpu.memref_slice %arg12[%dma_start3A_410, %dma_start3A_419, %dma_start3A_420] : memref<6x128x128xf32, #tpu.memory_space<vmem>> -> memref<1x128x128xf32, #tpu.memory_space<vmem>>
    %dma_start3A_422 = tpu.memref_squeeze %dma_start3A_421 : memref<1x128x128xf32, #tpu.memory_space<vmem>> -> memref<128x128xf32, #tpu.memory_space<vmem>>
    tpu.enqueue_dma source(%dma_start3A_422 : memref<128x128xf32, #tpu.memory_space<vmem>>) target(%dma_start3A_418 : memref<128x128xf32, #tpu.memory_space<hbm>>) target_semaphore(%arg24 : memref<!tpu.dma_semaphore, #tpu.memory_space<semaphore_mem>>)
    %dma_wait3A_423 = arith.constant 0 : i32
    %dma_wait3A_424 = arith.constant 0 : i32
    %dma_wait3A_425 = arith.constant 0 : i32
    %dma_wait3A_426 = tpu.memref_slice %arg12[%dma_wait3A_423, %dma_wait3A_424, %dma_wait3A_425] : memref<6x128x128xf32, #tpu.memory_space<vmem>> -> memref<1x128x128xf32, #tpu.memory_space<vmem>>
    %dma_wait3A_427 = tpu.memref_squeeze %dma_wait3A_426 : memref<1x128x128xf32, #tpu.memory_space<vmem>> -> memref<128x128xf32, #tpu.memory_space<vmem>>
    %dma_wait3A_428 = arith.constant 0 : i32
    %dma_wait3A_429 = tpu.memref_slice %arg7[%add3A_328, %dma_wait3A_428] : memref<40960x128xf32, #tpu.memory_space<hbm>> -> memref<128x128xf32, #tpu.memory_space<hbm>>
    %dma_wait3A_430 = arith.constant 0 : i32
    %dma_wait3A_431 = tpu.memref_slice %arg7[%add3A_328, %dma_wait3A_430] : memref<40960x128xf32, #tpu.memory_space<hbm>> -> memref<128x128xf32, #tpu.memory_space<hbm>>
    %dma_wait3A_432 = arith.constant 0 : i32
    %dma_wait3A_433 = arith.constant 0 : i32
    %dma_wait3A_434 = tpu.memref_slice %arg12[%dma_wait3A_423, %dma_wait3A_432, %dma_wait3A_433] : memref<6x128x128xf32, #tpu.memory_space<vmem>> -> memref<1x128x128xf32, #tpu.memory_space<vmem>>
    %dma_wait3A_435 = tpu.memref_squeeze %dma_wait3A_434 : memref<1x128x128xf32, #tpu.memory_space<vmem>> -> memref<128x128xf32, #tpu.memory_space<vmem>>
    tpu.wait_dma2 semaphore(%arg21 : memref<!tpu.dma_semaphore, #tpu.memory_space<semaphore_mem>>) src(%dma_wait3A_435 : memref<128x128xf32, #tpu.memory_space<vmem>>) dst(%dma_wait3A_431 : memref<128x128xf32, #tpu.memory_space<hbm>>)
    %dma_wait3A_436 = arith.constant 1 : i32
    %dma_wait3A_437 = arith.constant 0 : i32
    %dma_wait3A_438 = arith.constant 0 : i32
    %dma_wait3A_439 = tpu.memref_slice %arg12[%dma_wait3A_436, %dma_wait3A_437, %dma_wait3A_438] : memref<6x128x128xf32, #tpu.memory_space<vmem>> -> memref<1x128x128xf32, #tpu.memory_space<vmem>>
    %dma_wait3A_440 = tpu.memref_squeeze %dma_wait3A_439 : memref<1x128x128xf32, #tpu.memory_space<vmem>> -> memref<128x128xf32, #tpu.memory_space<vmem>>
    %dma_wait3A_441 = arith.constant 0 : i32
    %dma_wait3A_442 = tpu.memref_slice %arg7[%add3A_355, %dma_wait3A_441] : memref<40960x128xf32, #tpu.memory_space<hbm>> -> memref<128x128xf32, #tpu.memory_space<hbm>>
    %dma_wait3A_443 = arith.constant 0 : i32
    %dma_wait3A_444 = tpu.memref_slice %arg7[%add3A_355, %dma_wait3A_443] : memref<40960x128xf32, #tpu.memory_space<hbm>> -> memref<128x128xf32, #tpu.memory_space<hbm>>
    %dma_wait3A_445 = arith.constant 0 : i32
    %dma_wait3A_446 = arith.constant 0 : i32
    %dma_wait3A_447 = tpu.memref_slice %arg12[%dma_wait3A_436, %dma_wait3A_445, %dma_wait3A_446] : memref<6x128x128xf32, #tpu.memory_space<vmem>> -> memref<1x128x128xf32, #tpu.memory_space<vmem>>
    %dma_wait3A_448 = tpu.memref_squeeze %dma_wait3A_447 : memref<1x128x128xf32, #tpu.memory_space<vmem>> -> memref<128x128xf32, #tpu.memory_space<vmem>>
    tpu.wait_dma2 semaphore(%arg22 : memref<!tpu.dma_semaphore, #tpu.memory_space<semaphore_mem>>) src(%dma_wait3A_448 : memref<128x128xf32, #tpu.memory_space<vmem>>) dst(%dma_wait3A_444 : memref<128x128xf32, #tpu.memory_space<hbm>>)
    %dma_wait3A_449 = arith.constant 2 : i32
    %dma_wait3A_450 = arith.constant 0 : i32
    %dma_wait3A_451 = arith.constant 0 : i32
    %dma_wait3A_452 = tpu.memref_slice %arg12[%dma_wait3A_449, %dma_wait3A_450, %dma_wait3A_451] : memref<6x128x128xf32, #tpu.memory_space<vmem>> -> memref<1x128x128xf32, #tpu.memory_space<vmem>>
    %dma_wait3A_453 = tpu.memref_squeeze %dma_wait3A_452 : memref<1x128x128xf32, #tpu.memory_space<vmem>> -> memref<128x128xf32, #tpu.memory_space<vmem>>
    %dma_wait3A_454 = arith.constant 0 : i32
    %dma_wait3A_455 = tpu.memref_slice %arg7[%add3A_382, %dma_wait3A_454] : memref<40960x128xf32, #tpu.memory_space<hbm>> -> memref<128x128xf32, #tpu.memory_space<hbm>>
    %dma_wait3A_456 = arith.constant 0 : i32
    %dma_wait3A_457 = tpu.memref_slice %arg7[%add3A_382, %dma_wait3A_456] : memref<40960x128xf32, #tpu.memory_space<hbm>> -> memref<128x128xf32, #tpu.memory_space<hbm>>
    %dma_wait3A_458 = arith.constant 0 : i32
    %dma_wait3A_459 = arith.constant 0 : i32
    %dma_wait3A_460 = tpu.memref_slice %arg12[%dma_wait3A_449, %dma_wait3A_458, %dma_wait3A_459] : memref<6x128x128xf32, #tpu.memory_space<vmem>> -> memref<1x128x128xf32, #tpu.memory_space<vmem>>
    %dma_wait3A_461 = tpu.memref_squeeze %dma_wait3A_460 : memref<1x128x128xf32, #tpu.memory_space<vmem>> -> memref<128x128xf32, #tpu.memory_space<vmem>>
    tpu.wait_dma2 semaphore(%arg23 : memref<!tpu.dma_semaphore, #tpu.memory_space<semaphore_mem>>) src(%dma_wait3A_461 : memref<128x128xf32, #tpu.memory_space<vmem>>) dst(%dma_wait3A_457 : memref<128x128xf32, #tpu.memory_space<hbm>>)
    %dma_wait3A_462 = arith.constant 3 : i32
    %dma_wait3A_463 = arith.constant 0 : i32
    %dma_wait3A_464 = arith.constant 0 : i32
    %dma_wait3A_465 = tpu.memref_slice %arg12[%dma_wait3A_462, %dma_wait3A_463, %dma_wait3A_464] : memref<6x128x128xf32, #tpu.memory_space<vmem>> -> memref<1x128x128xf32, #tpu.memory_space<vmem>>
    %dma_wait3A_466 = tpu.memref_squeeze %dma_wait3A_465 : memref<1x128x128xf32, #tpu.memory_space<vmem>> -> memref<128x128xf32, #tpu.memory_space<vmem>>
    %dma_wait3A_467 = arith.constant 0 : i32
    %dma_wait3A_468 = tpu.memref_slice %arg7[%add3A_409, %dma_wait3A_467] : memref<40960x128xf32, #tpu.memory_space<hbm>> -> memref<128x128xf32, #tpu.memory_space<hbm>>
    %dma_wait3A_469 = arith.constant 0 : i32
    %dma_wait3A_470 = tpu.memref_slice %arg7[%add3A_409, %dma_wait3A_469] : memref<40960x128xf32, #tpu.memory_space<hbm>> -> memref<128x128xf32, #tpu.memory_space<hbm>>
    %dma_wait3A_471 = arith.constant 0 : i32
    %dma_wait3A_472 = arith.constant 0 : i32
    %dma_wait3A_473 = tpu.memref_slice %arg12[%dma_wait3A_462, %dma_wait3A_471, %dma_wait3A_472] : memref<6x128x128xf32, #tpu.memory_space<vmem>> -> memref<1x128x128xf32, #tpu.memory_space<vmem>>
    %dma_wait3A_474 = tpu.memref_squeeze %dma_wait3A_473 : memref<1x128x128xf32, #tpu.memory_space<vmem>> -> memref<128x128xf32, #tpu.memory_space<vmem>>
    tpu.wait_dma2 semaphore(%arg24 : memref<!tpu.dma_semaphore, #tpu.memory_space<semaphore_mem>>) src(%dma_wait3A_474 : memref<128x128xf32, #tpu.memory_space<vmem>>) dst(%dma_wait3A_470 : memref<128x128xf32, #tpu.memory_space<hbm>>)
    %dma_wait3A_475 = arith.constant 4 : i32
    %dma_wait3A_476 = arith.constant 0 : i32
    %dma_wait3A_477 = arith.constant 0 : i32
    %dma_wait3A_478 = tpu.memref_slice %arg12[%dma_wait3A_475, %dma_wait3A_476, %dma_wait3A_477] : memref<6x128x128xf32, #tpu.memory_space<vmem>> -> memref<1x128x128xf32, #tpu.memory_space<vmem>>
    %dma_wait3A_479 = tpu.memref_squeeze %dma_wait3A_478 : memref<1x128x128xf32, #tpu.memory_space<vmem>> -> memref<128x128xf32, #tpu.memory_space<vmem>>
    %dma_wait3A_480 = arith.constant 0 : i32
    %dma_wait3A_481 = tpu.memref_slice %arg7[%add3A_274, %dma_wait3A_480] : memref<40960x128xf32, #tpu.memory_space<hbm>> -> memref<128x128xf32, #tpu.memory_space<hbm>>
    %dma_wait3A_482 = arith.constant 0 : i32
    %dma_wait3A_483 = tpu.memref_slice %arg7[%add3A_274, %dma_wait3A_482] : memref<40960x128xf32, #tpu.memory_space<hbm>> -> memref<128x128xf32, #tpu.memory_space<hbm>>
    %dma_wait3A_484 = arith.constant 0 : i32
    %dma_wait3A_485 = arith.constant 0 : i32
    %dma_wait3A_486 = tpu.memref_slice %arg12[%dma_wait3A_475, %dma_wait3A_484, %dma_wait3A_485] : memref<6x128x128xf32, #tpu.memory_space<vmem>> -> memref<1x128x128xf32, #tpu.memory_space<vmem>>
    %dma_wait3A_487 = tpu.memref_squeeze %dma_wait3A_486 : memref<1x128x128xf32, #tpu.memory_space<vmem>> -> memref<128x128xf32, #tpu.memory_space<vmem>>
    tpu.wait_dma2 semaphore(%arg25 : memref<!tpu.dma_semaphore, #tpu.memory_space<semaphore_mem>>) src(%dma_wait3A_487 : memref<128x128xf32, #tpu.memory_space<vmem>>) dst(%dma_wait3A_483 : memref<128x128xf32, #tpu.memory_space<hbm>>)
    %dma_wait3A_488 = arith.constant 5 : i32
    %dma_wait3A_489 = arith.constant 0 : i32
    %dma_wait3A_490 = arith.constant 0 : i32
    %dma_wait3A_491 = tpu.memref_slice %arg12[%dma_wait3A_488, %dma_wait3A_489, %dma_wait3A_490] : memref<6x128x128xf32, #tpu.memory_space<vmem>> -> memref<1x128x128xf32, #tpu.memory_space<vmem>>
    %dma_wait3A_492 = tpu.memref_squeeze %dma_wait3A_491 : memref<1x128x128xf32, #tpu.memory_space<vmem>> -> memref<128x128xf32, #tpu.memory_space<vmem>>
    %dma_wait3A_493 = arith.constant 0 : i32
    %dma_wait3A_494 = tpu.memref_slice %arg7[%add3A_301, %dma_wait3A_493] : memref<40960x128xf32, #tpu.memory_space<hbm>> -> memref<128x128xf32, #tpu.memory_space<hbm>>
    %dma_wait3A_495 = arith.constant 0 : i32
    %dma_wait3A_496 = tpu.memref_slice %arg7[%add3A_301, %dma_wait3A_495] : memref<40960x128xf32, #tpu.memory_space<hbm>> -> memref<128x128xf32, #tpu.memory_space<hbm>>
    %dma_wait3A_497 = arith.constant 0 : i32
    %dma_wait3A_498 = arith.constant 0 : i32
    %dma_wait3A_499 = tpu.memref_slice %arg12[%dma_wait3A_488, %dma_wait3A_497, %dma_wait3A_498] : memref<6x128x128xf32, #tpu.memory_space<vmem>> -> memref<1x128x128xf32, #tpu.memory_space<vmem>>
    %dma_wait3A_500 = tpu.memref_squeeze %dma_wait3A_499 : memref<1x128x128xf32, #tpu.memory_space<vmem>> -> memref<128x128xf32, #tpu.memory_space<vmem>>
    tpu.wait_dma2 semaphore(%arg26 : memref<!tpu.dma_semaphore, #tpu.memory_space<semaphore_mem>>) src(%dma_wait3A_500 : memref<128x128xf32, #tpu.memory_space<vmem>>) dst(%dma_wait3A_496 : memref<128x128xf32, #tpu.memory_space<hbm>>)
    %eq3A = arith.constant 0 : i32
    %eq3A_501 = arith.cmpi eq, %add3A, %eq3A : i32
    %convert_element_type3A = arith.extui %eq3A_501 : i1 to i32
    %cond3A = arith.constant 0 : i32
    %cond3A_502 = arith.cmpi ne, %convert_element_type3A, %cond3A : i32
    scf.if %cond3A_502 {
      "tpu.region"() ({
        %run_scoped3A = tpu.sem_alloc : memref<!tpu.dma_semaphore, #tpu.memory_space<semaphore_mem>>
        tpu.enqueue_dma source(%arg6 : memref<32xi32, #tpu.memory_space<hbm>>) target(%arg11 : memref<32xi32, #tpu.memory_space<vmem>>) target_semaphore(%run_scoped3A : memref<!tpu.dma_semaphore, #tpu.memory_space<semaphore_mem>>)
        tpu.wait_dma2 semaphore(%run_scoped3A : memref<!tpu.dma_semaphore, #tpu.memory_space<semaphore_mem>>) src(%arg6 : memref<32xi32, #tpu.memory_space<hbm>>) dst(%arg11 : memref<32xi32, #tpu.memory_space<vmem>>)
        tpu.yield
      }) : () -> ()
      %dma_start3A_503 = arith.constant 0 : i32
      %dma_start3A_504 = arith.constant 0 : i32
      %dma_start3A_505 = tpu.memref_slice %arg3[%dma_start3A_503, %dma_start3A_504] : memref<1000x128xf32, #tpu.memory_space<hbm>> -> memref<1000x128xf32, #tpu.memory_space<hbm>>
      tpu.enqueue_indirect_dma source(%dma_start3A_505 : memref<1000x128xf32, #tpu.memory_space<hbm>>) target(%arg13 : memref<32x128xf32, #tpu.memory_space<vmem>>) offsets(%arg11 : memref<32xi32, #tpu.memory_space<vmem>>) semaphore(%arg14 : memref<!tpu.dma_semaphore, #tpu.memory_space<semaphore_mem>>)
      %dma_wait3A_506 = arith.constant 0 : i32
      %dma_wait3A_507 = arith.constant 0 : i32
      %dma_wait3A_508 = tpu.memref_slice %arg3[%dma_wait3A_506, %dma_wait3A_507] : memref<1000x128xf32, #tpu.memory_space<hbm>> -> memref<1000x128xf32, #tpu.memory_space<hbm>>
      tpu.wait_indirect_dma semaphore(%arg14 : memref<!tpu.dma_semaphore, #tpu.memory_space<semaphore_mem>>) src(%dma_wait3A_508 : memref<1000x128xf32, #tpu.memory_space<hbm>>) dst(%arg13 : memref<32x128xf32, #tpu.memory_space<vmem>>)
      "tpu.region"() ({
        %run_scoped3A = tpu.sem_alloc : memref<!tpu.dma_semaphore, #tpu.memory_space<semaphore_mem>>
        tpu.enqueue_dma source(%arg13 : memref<32x128xf32, #tpu.memory_space<vmem>>) target(%arg8 : memref<32x128xf32, #tpu.memory_space<hbm>>) target_semaphore(%run_scoped3A : memref<!tpu.dma_semaphore, #tpu.memory_space<semaphore_mem>>)
        tpu.wait_dma2 semaphore(%run_scoped3A : memref<!tpu.dma_semaphore, #tpu.memory_space<semaphore_mem>>) src(%arg13 : memref<32x128xf32, #tpu.memory_space<vmem>>) dst(%arg8 : memref<32x128xf32, #tpu.memory_space<hbm>>)
        tpu.yield
      }) : () -> ()
      %dma_start3A_509 = arith.constant 0 : i32
      %dma_start3A_510 = arith.constant 0 : i32
      %dma_start3A_511 = tpu.memref_slice %arg4[%dma_start3A_509, %dma_start3A_510] : memref<1000x128xf32, #tpu.memory_space<hbm>> -> memref<1000x128xf32, #tpu.memory_space<hbm>>
      tpu.enqueue_indirect_dma source(%dma_start3A_511 : memref<1000x128xf32, #tpu.memory_space<hbm>>) target(%arg13 : memref<32x128xf32, #tpu.memory_space<vmem>>) offsets(%arg11 : memref<32xi32, #tpu.memory_space<vmem>>) semaphore(%arg14 : memref<!tpu.dma_semaphore, #tpu.memory_space<semaphore_mem>>)
      %dma_wait3A_512 = arith.constant 0 : i32
      %dma_wait3A_513 = arith.constant 0 : i32
      %dma_wait3A_514 = tpu.memref_slice %arg4[%dma_wait3A_512, %dma_wait3A_513] : memref<1000x128xf32, #tpu.memory_space<hbm>> -> memref<1000x128xf32, #tpu.memory_space<hbm>>
      tpu.wait_indirect_dma semaphore(%arg14 : memref<!tpu.dma_semaphore, #tpu.memory_space<semaphore_mem>>) src(%dma_wait3A_514 : memref<1000x128xf32, #tpu.memory_space<hbm>>) dst(%arg13 : memref<32x128xf32, #tpu.memory_space<vmem>>)
      "tpu.region"() ({
        %run_scoped3A = tpu.sem_alloc : memref<!tpu.dma_semaphore, #tpu.memory_space<semaphore_mem>>
        tpu.enqueue_dma source(%arg13 : memref<32x128xf32, #tpu.memory_space<vmem>>) target(%arg9 : memref<32x128xf32, #tpu.memory_space<hbm>>) target_semaphore(%run_scoped3A : memref<!tpu.dma_semaphore, #tpu.memory_space<semaphore_mem>>)
        tpu.wait_dma2 semaphore(%run_scoped3A : memref<!tpu.dma_semaphore, #tpu.memory_space<semaphore_mem>>) src(%arg13 : memref<32x128xf32, #tpu.memory_space<vmem>>) dst(%arg9 : memref<32x128xf32, #tpu.memory_space<hbm>>)
        tpu.yield
      }) : () -> ()
    } else {
    }
    return
  }
}

module attributes {stable_mosaic.version = 14 : i64} {
  func.func @_tc_body(%arg0: i32, %arg1: memref<512x128xf32, #tpu.memory_space<vmem>>, %arg2: memref<512x128xf32, #tpu.memory_space<vmem>>, %arg3: memref<512x128xf32, #tpu.memory_space<vmem>>, %arg4: memref<512x128xf32, #tpu.memory_space<vmem>>, %arg5: memref<512x128xf32, #tpu.memory_space<vmem>>, %arg6: memref<512x128xf32, #tpu.memory_space<vmem>>, %arg7: memref<512x128xf32, #tpu.memory_space<vmem>>, %arg8: memref<512x128xf32, #tpu.memory_space<vmem>>, %arg9: memref<512x128xf32, #tpu.memory_space<vmem>>, %arg10: memref<512x128xf32, #tpu.memory_space<vmem>>, %arg11: memref<1000x256xf32, #tpu.memory_space<vmem>>, %arg12: memref<512x1xi32, #tpu.memory_space<vmem>>, %arg13: memref<512x1xi32, #tpu.memory_space<vmem>>, %arg14: memref<512x1xi32, #tpu.memory_space<vmem>>, %arg15: memref<512x1xi32, #tpu.memory_space<vmem>>, %arg16: memref<512x1xi32, #tpu.memory_space<vmem>>, %arg17: memref<32x128xf32, #tpu.memory_space<vmem>>, %arg18: memref<32x128xf32, #tpu.memory_space<vmem>>, %arg19: memref<8x32xi32, #tpu.memory_space<vmem>>, %arg20: memref<8x32xf32, #tpu.memory_space<vmem>>, %arg21: memref<1x1xf32, #tpu.memory_space<vmem>>) attributes {dimension_semantics = [#tpu.dimension_semantics<arbitrary>], iteration_bounds = array<i64: 8>, scalar_prefetch = 0 : i64, scratch_operands = 0 : i64, tpu.core_type = #tpu.core_type<tc>, window_params = [{transform_indices = @transform_0, window_bounds = array<i64: 512, 128>}, {transform_indices = @transform_1, window_bounds = array<i64: 512, 128>}, {transform_indices = @transform_2, window_bounds = array<i64: 512, 128>}, {transform_indices = @transform_3, window_bounds = array<i64: 512, 128>}, {transform_indices = @transform_4, window_bounds = array<i64: 512, 128>}, {transform_indices = @transform_5, window_bounds = array<i64: 512, 128>}, {transform_indices = @transform_6, window_bounds = array<i64: 512, 128>}, {transform_indices = @transform_7, window_bounds = array<i64: 512, 128>}, {transform_indices = @transform_8, window_bounds = array<i64: 512, 128>}, {transform_indices = @transform_9, window_bounds = array<i64: 512, 128>}, {pipeline_mode = #tpu.pipeline_mode<synchronous>, transform_indices = @transform_10, window_bounds = array<i64: 1000, 256>}, {transform_indices = @transform_11, window_bounds = array<i64: 512, 1>}, {transform_indices = @transform_12, window_bounds = array<i64: 512, 1>}, {transform_indices = @transform_13, window_bounds = array<i64: 512, 1>}, {transform_indices = @transform_14, window_bounds = array<i64: 512, 1>}, {transform_indices = @transform_15, window_bounds = array<i64: 512, 1>}, {pipeline_mode = #tpu.pipeline_mode<synchronous>, transform_indices = @transform_16, window_bounds = array<i64: 32, 128>}, {pipeline_mode = #tpu.pipeline_mode<synchronous>, transform_indices = @transform_17, window_bounds = array<i64: 32, 128>}, {pipeline_mode = #tpu.pipeline_mode<synchronous>, transform_indices = @transform_18, window_bounds = array<i64: 8, 32>}, {pipeline_mode = #tpu.pipeline_mode<synchronous>, transform_indices = @transform_19, window_bounds = array<i64: 8, 32>}, {pipeline_mode = #tpu.pipeline_mode<synchronous>, transform_indices = @transform_20, window_bounds = array<i64: 1, 1>}]} {
    %get3A = arith.constant 0 : index
    %get3A_0 = arith.constant 0 : index
    %get3A_1 = vector.load %arg11[%get3A, %get3A_0] : memref<1000x256xf32, #tpu.memory_space<vmem>>, vector<1000x256xf32>
    %slice3A = vector.extract_strided_slice %get3A_1 {offsets = [0, 0], sizes = [1000, 128], strides = [1, 1]} : vector<1000x256xf32> to vector<1000x128xf32>
    %convert_element_type3A = arith.truncf %slice3A : vector<1000x128xf32> to vector<1000x128xbf16>
    %slice3A_2 = vector.extract_strided_slice %get3A_1 {offsets = [0, 128], sizes = [1000, 128], strides = [1, 1]} : vector<1000x256xf32> to vector<1000x128xf32>
    %mul3A = arith.mulf %slice3A_2, %slice3A_2 : vector<1000x128xf32>
    %reduce_sum3A = arith.constant dense<0.000000e+00> : vector<1000xf32>
    %reduce_sum3A_3 = vector.multi_reduction <add>, %mul3A, %reduce_sum3A [1] : vector<1000x128xf32> to vector<1000xf32>
    %broadcast_in_dim3A = vector.shape_cast %reduce_sum3A_3 : vector<1000xf32> to vector<1000x1xf32>
    %sqrt3A = math.sqrt %broadcast_in_dim3A : vector<1000x1xf32>
    %add3A = arith.constant 9.99999971E-10 : f32
    %add3A_4 = vector.broadcast %add3A : f32 to vector<1000x1xf32>
    %add3A_5 = arith.addf %sqrt3A, %add3A_4 : vector<1000x1xf32>
    %div3A = vector.broadcast %add3A_5 : vector<1000x1xf32> to vector<1000x128xf32>
    %div3A_6 = arith.divf %slice3A_2, %div3A : vector<1000x128xf32>
    %convert_element_type3A_7 = arith.truncf %div3A_6 : vector<1000x128xf32> to vector<1000x128xbf16>
    %concatenate3A = tpu.concatenate %convert_element_type3A, %convert_element_type3A_7 in 1 : vector<1000x128xbf16>, vector<1000x128xbf16> -> vector<1000x256xbf16>
    %iota3A = tpu.iota {dimensions = array<i32: 1>} : vector<1x1000xi32>
    %get3A_8 = arith.constant 0 : index
    %get3A_9 = arith.constant 0 : index
    %get3A_10 = vector.load %arg1[%get3A_8, %get3A_9] : memref<512x128xf32, #tpu.memory_space<vmem>>, vector<512x128xf32>
    %get3A_11 = arith.constant 0 : index
    %get3A_12 = arith.constant 0 : index
    %get3A_13 = vector.load %arg2[%get3A_11, %get3A_12] : memref<512x128xf32, #tpu.memory_space<vmem>>, vector<512x128xf32>
    %sub3A = arith.subf %get3A_10, %get3A_13 : vector<512x128xf32>
    %get3A_14 = arith.constant 0 : index
    %get3A_15 = arith.constant 0 : index
    %get3A_16 = vector.load %arg12[%get3A_14, %get3A_15] : memref<512x1xi32, #tpu.memory_space<vmem>>, vector<512x1xi32>
    %eq3A = vector.broadcast %get3A_16 : vector<512x1xi32> to vector<512x1000xi32>
    %eq3A_17 = vector.broadcast %iota3A : vector<1x1000xi32> to vector<512x1000xi32>
    %eq3A_18 = arith.cmpi eq, %eq3A, %eq3A_17 : vector<512x1000xi32>
    %convert_element_type3A_19 = arith.extui %eq3A_18 : vector<512x1000xi1> to vector<512x1000xi32>
    %convert_element_type3A_20 = arith.sitofp %convert_element_type3A_19 : vector<512x1000xi32> to vector<512x1000xf32>
    %convert_element_type3A_21 = arith.truncf %convert_element_type3A_20 : vector<512x1000xf32> to vector<512x1000xbf16>
    %dot_general3A = arith.constant dense<0.000000e+00> : vector<512x256xf32>
    %dot_general3A_22 = tpu.matmul %convert_element_type3A_21, %concatenate3A, %dot_general3A {dimension_numbers = #tpu.dot_dimension_numbers<[1], [0], [0], [1], [0, 0, 1, 1], [], []>, transpose_lhs_hint = false} : vector<512x1000xbf16>, vector<1000x256xbf16>, vector<512x256xf32> -> vector<512x256xf32>
    %slice3A_23 = vector.extract_strided_slice %dot_general3A_22 {offsets = [0, 0], sizes = [512, 128], strides = [1, 1]} : vector<512x256xf32> to vector<512x128xf32>
    %slice3A_24 = vector.extract_strided_slice %dot_general3A_22 {offsets = [0, 128], sizes = [512, 128], strides = [1, 1]} : vector<512x256xf32> to vector<512x128xf32>
    %mul3A_25 = arith.mulf %slice3A_24, %sub3A : vector<512x128xf32>
    %reduce_sum3A_26 = arith.constant dense<0.000000e+00> : vector<512xf32>
    %reduce_sum3A_27 = vector.multi_reduction <add>, %mul3A_25, %reduce_sum3A_26 [1] : vector<512x128xf32> to vector<512xf32>
    %broadcast_in_dim3A_28 = vector.shape_cast %reduce_sum3A_27 : vector<512xf32> to vector<512x1xf32>
    %mul3A_29 = vector.broadcast %broadcast_in_dim3A_28 : vector<512x1xf32> to vector<512x128xf32>
    %mul3A_30 = arith.mulf %mul3A_29, %slice3A_24 : vector<512x128xf32>
    %sub3A_31 = arith.subf %sub3A, %mul3A_30 : vector<512x128xf32>
    %add3A_32 = arith.addf %sub3A_31, %slice3A_23 : vector<512x128xf32>
    %mul3A_33 = arith.mulf %add3A_32, %add3A_32 : vector<512x128xf32>
    %reduce_sum3A_34 = arith.constant dense<0.000000e+00> : vector<512xf32>
    %reduce_sum3A_35 = vector.multi_reduction <add>, %mul3A_33, %reduce_sum3A_34 [1] : vector<512x128xf32> to vector<512xf32>
    %broadcast_in_dim3A_36 = vector.shape_cast %reduce_sum3A_35 : vector<512xf32> to vector<512x1xf32>
    %add3A_37 = arith.constant 9.99999996E-13 : f32
    %add3A_38 = vector.broadcast %add3A_37 : f32 to vector<512x1xf32>
    %add3A_39 = arith.addf %broadcast_in_dim3A_36, %add3A_38 : vector<512x1xf32>
    %sqrt3A_40 = math.sqrt %add3A_39 : vector<512x1xf32>
    %neg3A = arith.constant 0.000000e+00 : f32
    %neg3A_41 = vector.broadcast %neg3A : f32 to vector<512x1xf32>
    %neg3A_42 = arith.subf %neg3A_41, %sqrt3A_40 : vector<512x1xf32>
    %get3A_43 = arith.constant 0 : index
    %get3A_44 = arith.constant 0 : index
    %get3A_45 = vector.load %arg13[%get3A_43, %get3A_44] : memref<512x1xi32, #tpu.memory_space<vmem>>, vector<512x1xi32>
    %eq3A_46 = vector.broadcast %get3A_45 : vector<512x1xi32> to vector<512x1000xi32>
    %eq3A_47 = vector.broadcast %iota3A : vector<1x1000xi32> to vector<512x1000xi32>
    %eq3A_48 = arith.cmpi eq, %eq3A_46, %eq3A_47 : vector<512x1000xi32>
    %convert_element_type3A_49 = arith.extui %eq3A_48 : vector<512x1000xi1> to vector<512x1000xi32>
    %convert_element_type3A_50 = arith.sitofp %convert_element_type3A_49 : vector<512x1000xi32> to vector<512x1000xf32>
    %convert_element_type3A_51 = arith.truncf %convert_element_type3A_50 : vector<512x1000xf32> to vector<512x1000xbf16>
    %dot_general3A_52 = arith.constant dense<0.000000e+00> : vector<512x256xf32>
    %dot_general3A_53 = tpu.matmul %convert_element_type3A_51, %concatenate3A, %dot_general3A_52 {dimension_numbers = #tpu.dot_dimension_numbers<[1], [0], [0], [1], [0, 0, 1, 1], [], []>, transpose_lhs_hint = false} : vector<512x1000xbf16>, vector<1000x256xbf16>, vector<512x256xf32> -> vector<512x256xf32>
    %slice3A_54 = vector.extract_strided_slice %dot_general3A_53 {offsets = [0, 0], sizes = [512, 128], strides = [1, 1]} : vector<512x256xf32> to vector<512x128xf32>
    %slice3A_55 = vector.extract_strided_slice %dot_general3A_53 {offsets = [0, 128], sizes = [512, 128], strides = [1, 1]} : vector<512x256xf32> to vector<512x128xf32>
    %get3A_56 = arith.constant 0 : index
    %get3A_57 = arith.constant 0 : index
    %get3A_58 = vector.load %arg3[%get3A_56, %get3A_57] : memref<512x128xf32, #tpu.memory_space<vmem>>, vector<512x128xf32>
    %get3A_59 = arith.constant 0 : index
    %get3A_60 = arith.constant 0 : index
    %get3A_61 = vector.load %arg7[%get3A_59, %get3A_60] : memref<512x128xf32, #tpu.memory_space<vmem>>, vector<512x128xf32>
    %sub3A_62 = arith.subf %get3A_58, %get3A_61 : vector<512x128xf32>
    %mul3A_63 = arith.mulf %slice3A_55, %sub3A_62 : vector<512x128xf32>
    %reduce_sum3A_64 = arith.constant dense<0.000000e+00> : vector<512xf32>
    %reduce_sum3A_65 = vector.multi_reduction <add>, %mul3A_63, %reduce_sum3A_64 [1] : vector<512x128xf32> to vector<512xf32>
    %broadcast_in_dim3A_66 = vector.shape_cast %reduce_sum3A_65 : vector<512xf32> to vector<512x1xf32>
    %mul3A_67 = vector.broadcast %broadcast_in_dim3A_66 : vector<512x1xf32> to vector<512x128xf32>
    %mul3A_68 = arith.mulf %mul3A_67, %slice3A_55 : vector<512x128xf32>
    %sub3A_69 = arith.subf %sub3A_62, %mul3A_68 : vector<512x128xf32>
    %add3A_70 = arith.addf %sub3A_69, %slice3A_54 : vector<512x128xf32>
    %mul3A_71 = arith.mulf %add3A_70, %add3A_70 : vector<512x128xf32>
    %reduce_sum3A_72 = arith.constant dense<0.000000e+00> : vector<512xf32>
    %reduce_sum3A_73 = vector.multi_reduction <add>, %mul3A_71, %reduce_sum3A_72 [1] : vector<512x128xf32> to vector<512xf32>
    %broadcast_in_dim3A_74 = vector.shape_cast %reduce_sum3A_73 : vector<512xf32> to vector<512x1xf32>
    %add3A_75 = arith.constant 9.99999996E-13 : f32
    %add3A_76 = vector.broadcast %add3A_75 : f32 to vector<512x1xf32>
    %add3A_77 = arith.addf %broadcast_in_dim3A_74, %add3A_76 : vector<512x1xf32>
    %sqrt3A_78 = math.sqrt %add3A_77 : vector<512x1xf32>
    %neg3A_79 = arith.constant 0.000000e+00 : f32
    %neg3A_80 = vector.broadcast %neg3A_79 : f32 to vector<512x1xf32>
    %neg3A_81 = arith.subf %neg3A_80, %sqrt3A_78 : vector<512x1xf32>
    %sub3A_82 = arith.constant 1.000000e+00 : f32
    %sub3A_83 = vector.broadcast %sub3A_82 : f32 to vector<512x1xf32>
    %sub3A_84 = arith.subf %sub3A_83, %neg3A_42 : vector<512x1xf32>
    %add3A_85 = arith.addf %sub3A_84, %neg3A_81 : vector<512x1xf32>
    %max3A = arith.constant 0.000000e+00 : f32
    %max3A_86 = vector.broadcast %max3A : f32 to vector<512x1xf32>
    %max3A_87 = arith.maximumf %add3A_85, %max3A_86 : vector<512x1xf32>
    %reduce_sum3A_88 = vector.shape_cast %max3A_87 : vector<512x1xf32> to vector<1x512x1xf32>
    %reduce_sum3A_89 = arith.constant dense<0.000000e+00> : vector<1xf32>
    %reduce_sum3A_90 = vector.multi_reduction <add>, %reduce_sum3A_88, %reduce_sum3A_89 [1, 2] : vector<1x512x1xf32> to vector<1xf32>
    %reduce_sum3A_91 = vector.shape_cast %reduce_sum3A_90 : vector<1xf32> to vector<1x1x1xf32>
    %reduce_sum3A_92 = vector.extract %reduce_sum3A_91[0, 0, 0] : f32 from vector<1x1x1xf32>
    %add3A_93 = arith.constant 0.000000e+00 : f32
    %add3A_94 = arith.addf %add3A_93, %reduce_sum3A_92 : f32
    %get3A_95 = arith.constant 0 : index
    %get3A_96 = arith.constant 0 : index
    %get3A_97 = vector.load %arg14[%get3A_95, %get3A_96] : memref<512x1xi32, #tpu.memory_space<vmem>>, vector<512x1xi32>
    %eq3A_98 = vector.broadcast %get3A_97 : vector<512x1xi32> to vector<512x1000xi32>
    %eq3A_99 = vector.broadcast %iota3A : vector<1x1000xi32> to vector<512x1000xi32>
    %eq3A_100 = arith.cmpi eq, %eq3A_98, %eq3A_99 : vector<512x1000xi32>
    %convert_element_type3A_101 = arith.extui %eq3A_100 : vector<512x1000xi1> to vector<512x1000xi32>
    %convert_element_type3A_102 = arith.sitofp %convert_element_type3A_101 : vector<512x1000xi32> to vector<512x1000xf32>
    %convert_element_type3A_103 = arith.truncf %convert_element_type3A_102 : vector<512x1000xf32> to vector<512x1000xbf16>
    %dot_general3A_104 = arith.constant dense<0.000000e+00> : vector<512x256xf32>
    %dot_general3A_105 = tpu.matmul %convert_element_type3A_103, %concatenate3A, %dot_general3A_104 {dimension_numbers = #tpu.dot_dimension_numbers<[1], [0], [0], [1], [0, 0, 1, 1], [], []>, transpose_lhs_hint = false} : vector<512x1000xbf16>, vector<1000x256xbf16>, vector<512x256xf32> -> vector<512x256xf32>
    %slice3A_106 = vector.extract_strided_slice %dot_general3A_105 {offsets = [0, 0], sizes = [512, 128], strides = [1, 1]} : vector<512x256xf32> to vector<512x128xf32>
    %slice3A_107 = vector.extract_strided_slice %dot_general3A_105 {offsets = [0, 128], sizes = [512, 128], strides = [1, 1]} : vector<512x256xf32> to vector<512x128xf32>
    %get3A_108 = arith.constant 0 : index
    %get3A_109 = arith.constant 0 : index
    %get3A_110 = vector.load %arg4[%get3A_108, %get3A_109] : memref<512x128xf32, #tpu.memory_space<vmem>>, vector<512x128xf32>
    %get3A_111 = arith.constant 0 : index
    %get3A_112 = arith.constant 0 : index
    %get3A_113 = vector.load %arg8[%get3A_111, %get3A_112] : memref<512x128xf32, #tpu.memory_space<vmem>>, vector<512x128xf32>
    %sub3A_114 = arith.subf %get3A_110, %get3A_113 : vector<512x128xf32>
    %mul3A_115 = arith.mulf %slice3A_107, %sub3A_114 : vector<512x128xf32>
    %reduce_sum3A_116 = arith.constant dense<0.000000e+00> : vector<512xf32>
    %reduce_sum3A_117 = vector.multi_reduction <add>, %mul3A_115, %reduce_sum3A_116 [1] : vector<512x128xf32> to vector<512xf32>
    %broadcast_in_dim3A_118 = vector.shape_cast %reduce_sum3A_117 : vector<512xf32> to vector<512x1xf32>
    %mul3A_119 = vector.broadcast %broadcast_in_dim3A_118 : vector<512x1xf32> to vector<512x128xf32>
    %mul3A_120 = arith.mulf %mul3A_119, %slice3A_107 : vector<512x128xf32>
    %sub3A_121 = arith.subf %sub3A_114, %mul3A_120 : vector<512x128xf32>
    %add3A_122 = arith.addf %sub3A_121, %slice3A_106 : vector<512x128xf32>
    %mul3A_123 = arith.mulf %add3A_122, %add3A_122 : vector<512x128xf32>
    %reduce_sum3A_124 = arith.constant dense<0.000000e+00> : vector<512xf32>
    %reduce_sum3A_125 = vector.multi_reduction <add>, %mul3A_123, %reduce_sum3A_124 [1] : vector<512x128xf32> to vector<512xf32>
    %broadcast_in_dim3A_126 = vector.shape_cast %reduce_sum3A_125 : vector<512xf32> to vector<512x1xf32>
    %add3A_127 = arith.constant 9.99999996E-13 : f32
    %add3A_128 = vector.broadcast %add3A_127 : f32 to vector<512x1xf32>
    %add3A_129 = arith.addf %broadcast_in_dim3A_126, %add3A_128 : vector<512x1xf32>
    %sqrt3A_130 = math.sqrt %add3A_129 : vector<512x1xf32>
    %neg3A_131 = arith.constant 0.000000e+00 : f32
    %neg3A_132 = vector.broadcast %neg3A_131 : f32 to vector<512x1xf32>
    %neg3A_133 = arith.subf %neg3A_132, %sqrt3A_130 : vector<512x1xf32>
    %sub3A_134 = arith.constant 1.000000e+00 : f32
    %sub3A_135 = vector.broadcast %sub3A_134 : f32 to vector<512x1xf32>
    %sub3A_136 = arith.subf %sub3A_135, %neg3A_42 : vector<512x1xf32>
    %add3A_137 = arith.addf %sub3A_136, %neg3A_133 : vector<512x1xf32>
    %max3A_138 = arith.constant 0.000000e+00 : f32
    %max3A_139 = vector.broadcast %max3A_138 : f32 to vector<512x1xf32>
    %max3A_140 = arith.maximumf %add3A_137, %max3A_139 : vector<512x1xf32>
    %reduce_sum3A_141 = vector.shape_cast %max3A_140 : vector<512x1xf32> to vector<1x512x1xf32>
    %reduce_sum3A_142 = arith.constant dense<0.000000e+00> : vector<1xf32>
    %reduce_sum3A_143 = vector.multi_reduction <add>, %reduce_sum3A_141, %reduce_sum3A_142 [1, 2] : vector<1x512x1xf32> to vector<1xf32>
    %reduce_sum3A_144 = vector.shape_cast %reduce_sum3A_143 : vector<1xf32> to vector<1x1x1xf32>
    %reduce_sum3A_145 = vector.extract %reduce_sum3A_144[0, 0, 0] : f32 from vector<1x1x1xf32>
    %add3A_146 = arith.addf %add3A_94, %reduce_sum3A_145 : f32
    %get3A_147 = arith.constant 0 : index
    %get3A_148 = arith.constant 0 : index
    %get3A_149 = vector.load %arg15[%get3A_147, %get3A_148] : memref<512x1xi32, #tpu.memory_space<vmem>>, vector<512x1xi32>
    %eq3A_150 = vector.broadcast %get3A_149 : vector<512x1xi32> to vector<512x1000xi32>
    %eq3A_151 = vector.broadcast %iota3A : vector<1x1000xi32> to vector<512x1000xi32>
    %eq3A_152 = arith.cmpi eq, %eq3A_150, %eq3A_151 : vector<512x1000xi32>
    %convert_element_type3A_153 = arith.extui %eq3A_152 : vector<512x1000xi1> to vector<512x1000xi32>
    %convert_element_type3A_154 = arith.sitofp %convert_element_type3A_153 : vector<512x1000xi32> to vector<512x1000xf32>
    %convert_element_type3A_155 = arith.truncf %convert_element_type3A_154 : vector<512x1000xf32> to vector<512x1000xbf16>
    %dot_general3A_156 = arith.constant dense<0.000000e+00> : vector<512x256xf32>
    %dot_general3A_157 = tpu.matmul %convert_element_type3A_155, %concatenate3A, %dot_general3A_156 {dimension_numbers = #tpu.dot_dimension_numbers<[1], [0], [0], [1], [0, 0, 1, 1], [], []>, transpose_lhs_hint = false} : vector<512x1000xbf16>, vector<1000x256xbf16>, vector<512x256xf32> -> vector<512x256xf32>
    %slice3A_158 = vector.extract_strided_slice %dot_general3A_157 {offsets = [0, 0], sizes = [512, 128], strides = [1, 1]} : vector<512x256xf32> to vector<512x128xf32>
    %slice3A_159 = vector.extract_strided_slice %dot_general3A_157 {offsets = [0, 128], sizes = [512, 128], strides = [1, 1]} : vector<512x256xf32> to vector<512x128xf32>
    %get3A_160 = arith.constant 0 : index
    %get3A_161 = arith.constant 0 : index
    %get3A_162 = vector.load %arg5[%get3A_160, %get3A_161] : memref<512x128xf32, #tpu.memory_space<vmem>>, vector<512x128xf32>
    %get3A_163 = arith.constant 0 : index
    %get3A_164 = arith.constant 0 : index
    %get3A_165 = vector.load %arg9[%get3A_163, %get3A_164] : memref<512x128xf32, #tpu.memory_space<vmem>>, vector<512x128xf32>
    %sub3A_166 = arith.subf %get3A_162, %get3A_165 : vector<512x128xf32>
    %mul3A_167 = arith.mulf %slice3A_159, %sub3A_166 : vector<512x128xf32>
    %reduce_sum3A_168 = arith.constant dense<0.000000e+00> : vector<512xf32>
    %reduce_sum3A_169 = vector.multi_reduction <add>, %mul3A_167, %reduce_sum3A_168 [1] : vector<512x128xf32> to vector<512xf32>
    %broadcast_in_dim3A_170 = vector.shape_cast %reduce_sum3A_169 : vector<512xf32> to vector<512x1xf32>
    %mul3A_171 = vector.broadcast %broadcast_in_dim3A_170 : vector<512x1xf32> to vector<512x128xf32>
    %mul3A_172 = arith.mulf %mul3A_171, %slice3A_159 : vector<512x128xf32>
    %sub3A_173 = arith.subf %sub3A_166, %mul3A_172 : vector<512x128xf32>
    %add3A_174 = arith.addf %sub3A_173, %slice3A_158 : vector<512x128xf32>
    %mul3A_175 = arith.mulf %add3A_174, %add3A_174 : vector<512x128xf32>
    %reduce_sum3A_176 = arith.constant dense<0.000000e+00> : vector<512xf32>
    %reduce_sum3A_177 = vector.multi_reduction <add>, %mul3A_175, %reduce_sum3A_176 [1] : vector<512x128xf32> to vector<512xf32>
    %broadcast_in_dim3A_178 = vector.shape_cast %reduce_sum3A_177 : vector<512xf32> to vector<512x1xf32>
    %add3A_179 = arith.constant 9.99999996E-13 : f32
    %add3A_180 = vector.broadcast %add3A_179 : f32 to vector<512x1xf32>
    %add3A_181 = arith.addf %broadcast_in_dim3A_178, %add3A_180 : vector<512x1xf32>
    %sqrt3A_182 = math.sqrt %add3A_181 : vector<512x1xf32>
    %neg3A_183 = arith.constant 0.000000e+00 : f32
    %neg3A_184 = vector.broadcast %neg3A_183 : f32 to vector<512x1xf32>
    %neg3A_185 = arith.subf %neg3A_184, %sqrt3A_182 : vector<512x1xf32>
    %sub3A_186 = arith.constant 1.000000e+00 : f32
    %sub3A_187 = vector.broadcast %sub3A_186 : f32 to vector<512x1xf32>
    %sub3A_188 = arith.subf %sub3A_187, %neg3A_42 : vector<512x1xf32>
    %add3A_189 = arith.addf %sub3A_188, %neg3A_185 : vector<512x1xf32>
    %max3A_190 = arith.constant 0.000000e+00 : f32
    %max3A_191 = vector.broadcast %max3A_190 : f32 to vector<512x1xf32>
    %max3A_192 = arith.maximumf %add3A_189, %max3A_191 : vector<512x1xf32>
    %reduce_sum3A_193 = vector.shape_cast %max3A_192 : vector<512x1xf32> to vector<1x512x1xf32>
    %reduce_sum3A_194 = arith.constant dense<0.000000e+00> : vector<1xf32>
    %reduce_sum3A_195 = vector.multi_reduction <add>, %reduce_sum3A_193, %reduce_sum3A_194 [1, 2] : vector<1x512x1xf32> to vector<1xf32>
    %reduce_sum3A_196 = vector.shape_cast %reduce_sum3A_195 : vector<1xf32> to vector<1x1x1xf32>
    %reduce_sum3A_197 = vector.extract %reduce_sum3A_196[0, 0, 0] : f32 from vector<1x1x1xf32>
    %add3A_198 = arith.addf %add3A_146, %reduce_sum3A_197 : f32
    %get3A_199 = arith.constant 0 : index
    %get3A_200 = arith.constant 0 : index
    %get3A_201 = vector.load %arg16[%get3A_199, %get3A_200] : memref<512x1xi32, #tpu.memory_space<vmem>>, vector<512x1xi32>
    %eq3A_202 = vector.broadcast %get3A_201 : vector<512x1xi32> to vector<512x1000xi32>
    %eq3A_203 = vector.broadcast %iota3A : vector<1x1000xi32> to vector<512x1000xi32>
    %eq3A_204 = arith.cmpi eq, %eq3A_202, %eq3A_203 : vector<512x1000xi32>
    %convert_element_type3A_205 = arith.extui %eq3A_204 : vector<512x1000xi1> to vector<512x1000xi32>
    %convert_element_type3A_206 = arith.sitofp %convert_element_type3A_205 : vector<512x1000xi32> to vector<512x1000xf32>
    %convert_element_type3A_207 = arith.truncf %convert_element_type3A_206 : vector<512x1000xf32> to vector<512x1000xbf16>
    %dot_general3A_208 = arith.constant dense<0.000000e+00> : vector<512x256xf32>
    %dot_general3A_209 = tpu.matmul %convert_element_type3A_207, %concatenate3A, %dot_general3A_208 {dimension_numbers = #tpu.dot_dimension_numbers<[1], [0], [0], [1], [0, 0, 1, 1], [], []>, transpose_lhs_hint = false} : vector<512x1000xbf16>, vector<1000x256xbf16>, vector<512x256xf32> -> vector<512x256xf32>
    %slice3A_210 = vector.extract_strided_slice %dot_general3A_209 {offsets = [0, 0], sizes = [512, 128], strides = [1, 1]} : vector<512x256xf32> to vector<512x128xf32>
    %slice3A_211 = vector.extract_strided_slice %dot_general3A_209 {offsets = [0, 128], sizes = [512, 128], strides = [1, 1]} : vector<512x256xf32> to vector<512x128xf32>
    %get3A_212 = arith.constant 0 : index
    %get3A_213 = arith.constant 0 : index
    %get3A_214 = vector.load %arg6[%get3A_212, %get3A_213] : memref<512x128xf32, #tpu.memory_space<vmem>>, vector<512x128xf32>
    %get3A_215 = arith.constant 0 : index
    %get3A_216 = arith.constant 0 : index
    %get3A_217 = vector.load %arg10[%get3A_215, %get3A_216] : memref<512x128xf32, #tpu.memory_space<vmem>>, vector<512x128xf32>
    %sub3A_218 = arith.subf %get3A_214, %get3A_217 : vector<512x128xf32>
    %mul3A_219 = arith.mulf %slice3A_211, %sub3A_218 : vector<512x128xf32>
    %reduce_sum3A_220 = arith.constant dense<0.000000e+00> : vector<512xf32>
    %reduce_sum3A_221 = vector.multi_reduction <add>, %mul3A_219, %reduce_sum3A_220 [1] : vector<512x128xf32> to vector<512xf32>
    %broadcast_in_dim3A_222 = vector.shape_cast %reduce_sum3A_221 : vector<512xf32> to vector<512x1xf32>
    %mul3A_223 = vector.broadcast %broadcast_in_dim3A_222 : vector<512x1xf32> to vector<512x128xf32>
    %mul3A_224 = arith.mulf %mul3A_223, %slice3A_211 : vector<512x128xf32>
    %sub3A_225 = arith.subf %sub3A_218, %mul3A_224 : vector<512x128xf32>
    %add3A_226 = arith.addf %sub3A_225, %slice3A_210 : vector<512x128xf32>
    %mul3A_227 = arith.mulf %add3A_226, %add3A_226 : vector<512x128xf32>
    %reduce_sum3A_228 = arith.constant dense<0.000000e+00> : vector<512xf32>
    %reduce_sum3A_229 = vector.multi_reduction <add>, %mul3A_227, %reduce_sum3A_228 [1] : vector<512x128xf32> to vector<512xf32>
    %broadcast_in_dim3A_230 = vector.shape_cast %reduce_sum3A_229 : vector<512xf32> to vector<512x1xf32>
    %add3A_231 = arith.constant 9.99999996E-13 : f32
    %add3A_232 = vector.broadcast %add3A_231 : f32 to vector<512x1xf32>
    %add3A_233 = arith.addf %broadcast_in_dim3A_230, %add3A_232 : vector<512x1xf32>
    %sqrt3A_234 = math.sqrt %add3A_233 : vector<512x1xf32>
    %neg3A_235 = arith.constant 0.000000e+00 : f32
    %neg3A_236 = vector.broadcast %neg3A_235 : f32 to vector<512x1xf32>
    %neg3A_237 = arith.subf %neg3A_236, %sqrt3A_234 : vector<512x1xf32>
    %sub3A_238 = arith.constant 1.000000e+00 : f32
    %sub3A_239 = vector.broadcast %sub3A_238 : f32 to vector<512x1xf32>
    %sub3A_240 = arith.subf %sub3A_239, %neg3A_42 : vector<512x1xf32>
    %add3A_241 = arith.addf %sub3A_240, %neg3A_237 : vector<512x1xf32>
    %max3A_242 = arith.constant 0.000000e+00 : f32
    %max3A_243 = vector.broadcast %max3A_242 : f32 to vector<512x1xf32>
    %max3A_244 = arith.maximumf %add3A_241, %max3A_243 : vector<512x1xf32>
    %reduce_sum3A_245 = vector.shape_cast %max3A_244 : vector<512x1xf32> to vector<1x512x1xf32>
    %reduce_sum3A_246 = arith.constant dense<0.000000e+00> : vector<1xf32>
    %reduce_sum3A_247 = vector.multi_reduction <add>, %reduce_sum3A_245, %reduce_sum3A_246 [1, 2] : vector<1x512x1xf32> to vector<1xf32>
    %reduce_sum3A_248 = vector.shape_cast %reduce_sum3A_247 : vector<1xf32> to vector<1x1x1xf32>
    %reduce_sum3A_249 = vector.extract %reduce_sum3A_248[0, 0, 0] : f32 from vector<1x1x1xf32>
    %add3A_250 = arith.addf %add3A_198, %reduce_sum3A_249 : f32
    %get3A_251 = arith.constant 0 : index
    %get3A_252 = arith.constant 0 : index
    %get3A_253 = vector.load %arg17[%get3A_251, %get3A_252] : memref<32x128xf32, #tpu.memory_space<vmem>>, vector<32x128xf32>
    %get3A_254 = arith.constant 0 : index
    %get3A_255 = arith.constant 0 : index
    %get3A_256 = vector.load %arg18[%get3A_254, %get3A_255] : memref<32x128xf32, #tpu.memory_space<vmem>>, vector<32x128xf32>
    %mul3A_257 = arith.mulf %get3A_256, %get3A_256 : vector<32x128xf32>
    %reduce_sum3A_258 = arith.constant dense<0.000000e+00> : vector<32xf32>
    %reduce_sum3A_259 = vector.multi_reduction <add>, %mul3A_257, %reduce_sum3A_258 [1] : vector<32x128xf32> to vector<32xf32>
    %broadcast_in_dim3A_260 = vector.shape_cast %reduce_sum3A_259 : vector<32xf32> to vector<32x1xf32>
    %sqrt3A_261 = math.sqrt %broadcast_in_dim3A_260 : vector<32x1xf32>
    %add3A_262 = arith.constant 9.99999971E-10 : f32
    %add3A_263 = vector.broadcast %add3A_262 : f32 to vector<32x1xf32>
    %add3A_264 = arith.addf %sqrt3A_261, %add3A_263 : vector<32x1xf32>
    %div3A_265 = vector.broadcast %add3A_264 : vector<32x1xf32> to vector<32x128xf32>
    %div3A_266 = arith.divf %get3A_256, %div3A_265 : vector<32x128xf32>
    %dot_general3A_267 = arith.constant dense<0.000000e+00> : vector<512x32xf32>
    %dot_general3A_268 = tpu.matmul %sub3A, %div3A_266, %dot_general3A_267 {dimension_numbers = #tpu.dot_dimension_numbers<[1], [1], [0], [0], [0, 0, 1, 0], [], []>, transpose_lhs_hint = false} : vector<512x128xf32>, vector<32x128xf32>, vector<512x32xf32> -> vector<512x32xf32>
    %dot_general3A_269 = arith.constant dense<0.000000e+00> : vector<512x32xf32>
    %dot_general3A_270 = tpu.matmul %sub3A, %get3A_253, %dot_general3A_269 {dimension_numbers = #tpu.dot_dimension_numbers<[1], [1], [0], [0], [0, 0, 1, 0], [], []>, transpose_lhs_hint = false} : vector<512x128xf32>, vector<32x128xf32>, vector<512x32xf32> -> vector<512x32xf32>
    %broadcast_in_dim3A_271 = arith.constant 1.000000e+00 : f32
    %broadcast_in_dim3A_272 = vector.broadcast %broadcast_in_dim3A_271 : f32 to vector<1x128xf32>
    %mul3A_273 = arith.mulf %get3A_253, %get3A_253 : vector<32x128xf32>
    %dot_general3A_274 = arith.constant dense<0.000000e+00> : vector<1x32xf32>
    %dot_general3A_275 = tpu.matmul %broadcast_in_dim3A_272, %mul3A_273, %dot_general3A_274 {dimension_numbers = #tpu.dot_dimension_numbers<[1], [1], [0], [0], [0, 0, 1, 0], [], []>, transpose_lhs_hint = false} : vector<1x128xf32>, vector<32x128xf32>, vector<1x32xf32> -> vector<1x32xf32>
    %mul3A_276 = arith.mulf %div3A_266, %get3A_253 : vector<32x128xf32>
    %dot_general3A_277 = arith.constant dense<0.000000e+00> : vector<1x32xf32>
    %dot_general3A_278 = tpu.matmul %broadcast_in_dim3A_272, %mul3A_276, %dot_general3A_277 {dimension_numbers = #tpu.dot_dimension_numbers<[1], [1], [0], [0], [0, 0, 1, 0], [], []>, transpose_lhs_hint = false} : vector<1x128xf32>, vector<32x128xf32>, vector<1x32xf32> -> vector<1x32xf32>
    %mul3A_279 = arith.mulf %sub3A, %sub3A : vector<512x128xf32>
    %reduce_sum3A_280 = arith.constant dense<0.000000e+00> : vector<512xf32>
    %reduce_sum3A_281 = vector.multi_reduction <add>, %mul3A_279, %reduce_sum3A_280 [1] : vector<512x128xf32> to vector<512xf32>
    %broadcast_in_dim3A_282 = vector.shape_cast %reduce_sum3A_281 : vector<512xf32> to vector<512x1xf32>
    %mul3A_283 = arith.mulf %dot_general3A_268, %dot_general3A_268 : vector<512x32xf32>
    %sub3A_284 = vector.broadcast %broadcast_in_dim3A_282 : vector<512x1xf32> to vector<512x32xf32>
    %sub3A_285 = arith.subf %sub3A_284, %mul3A_283 : vector<512x32xf32>
    %add3A_286 = vector.broadcast %dot_general3A_275 : vector<1x32xf32> to vector<512x32xf32>
    %add3A_287 = arith.addf %sub3A_285, %add3A_286 : vector<512x32xf32>
    %mul3A_288 = arith.constant 2.000000e+00 : f32
    %mul3A_289 = vector.broadcast %mul3A_288 : f32 to vector<512x32xf32>
    %mul3A_290 = arith.mulf %mul3A_289, %dot_general3A_270 : vector<512x32xf32>
    %add3A_291 = arith.addf %add3A_287, %mul3A_290 : vector<512x32xf32>
    %mul3A_292 = arith.constant 2.000000e+00 : f32
    %mul3A_293 = vector.broadcast %mul3A_292 : f32 to vector<512x32xf32>
    %mul3A_294 = arith.mulf %mul3A_293, %dot_general3A_268 : vector<512x32xf32>
    %mul3A_295 = vector.broadcast %dot_general3A_278 : vector<1x32xf32> to vector<512x32xf32>
    %mul3A_296 = arith.mulf %mul3A_294, %mul3A_295 : vector<512x32xf32>
    %sub3A_297 = arith.subf %add3A_291, %mul3A_296 : vector<512x32xf32>
    %max3A_298 = arith.constant 0.000000e+00 : f32
    %max3A_299 = vector.broadcast %max3A_298 : f32 to vector<512x32xf32>
    %max3A_300 = arith.maximumf %sub3A_297, %max3A_299 : vector<512x32xf32>
    %add3A_301 = arith.constant 9.99999996E-13 : f32
    %add3A_302 = vector.broadcast %add3A_301 : f32 to vector<512x32xf32>
    %add3A_303 = arith.addf %max3A_300, %add3A_302 : vector<512x32xf32>
    %sqrt3A_304 = math.sqrt %add3A_303 : vector<512x32xf32>
    %neg3A_305 = arith.constant 0.000000e+00 : f32
    %neg3A_306 = vector.broadcast %neg3A_305 : f32 to vector<512x32xf32>
    %neg3A_307 = arith.subf %neg3A_306, %sqrt3A_304 : vector<512x32xf32>
    %get3A_308 = arith.constant 0 : index
    %get3A_309 = arith.constant 0 : index
    %get3A_310 = vector.load %arg12[%get3A_308, %get3A_309] : memref<512x1xi32, #tpu.memory_space<vmem>>, vector<512x1xi32>
    %get3A_311 = arith.constant 0 : index
    %get3A_312 = arith.constant 0 : index
    %get3A_313 = vector.load %arg19[%get3A_311, %get3A_312] : memref<8x32xi32, #tpu.memory_space<vmem>>, vector<1x32xi32>
    %eq3A_314 = vector.broadcast %get3A_310 : vector<512x1xi32> to vector<512x32xi32>
    %eq3A_315 = vector.broadcast %get3A_313 : vector<1x32xi32> to vector<512x32xi32>
    %eq3A_316 = arith.cmpi eq, %eq3A_314, %eq3A_315 : vector<512x32xi32>
    %get3A_317 = arith.constant 0 : index
    %get3A_318 = arith.constant 0 : index
    %get3A_319 = vector.load %arg20[%get3A_317, %get3A_318] : memref<8x32xf32, #tpu.memory_space<vmem>>, vector<1x32xf32>
    %mul3A_320 = vector.broadcast %get3A_319 : vector<1x32xf32> to vector<512x32xf32>
    %mul3A_321 = arith.mulf %mul3A_320, %neg3A_307 : vector<512x32xf32>
    %jit3A = arith.constant 0.000000e+00 : f32
    %broadcast_in_dim3A_322 = vector.broadcast %jit3A : f32 to vector<512x32xf32>
    %select_n3A = arith.select %eq3A_316, %mul3A_321, %broadcast_in_dim3A_322 : vector<512x32xi1>, vector<512x32xf32>
    %reduce_sum3A_323 = vector.shape_cast %select_n3A : vector<512x32xf32> to vector<1x512x32xf32>
    %reduce_sum3A_324 = arith.constant dense<0.000000e+00> : vector<1xf32>
    %reduce_sum3A_325 = vector.multi_reduction <add>, %reduce_sum3A_323, %reduce_sum3A_324 [1, 2] : vector<1x512x32xf32> to vector<1xf32>
    %reduce_sum3A_326 = vector.shape_cast %reduce_sum3A_325 : vector<1xf32> to vector<1x1x1xf32>
    %reduce_sum3A_327 = vector.extract %reduce_sum3A_326[0, 0, 0] : f32 from vector<1x1x1xf32>
    %neg3A_328 = arith.constant 0.000000e+00 : f32
    %neg3A_329 = arith.subf %neg3A_328, %reduce_sum3A_327 : f32
    %mul3A_330 = arith.constant 6.10351563E-5 : f32
    %mul3A_331 = arith.mulf %add3A_250, %mul3A_330 : f32
    %mul3A_332 = arith.constant 5.000000e-01 : f32
    %mul3A_333 = arith.mulf %mul3A_332, %neg3A_329 : f32
    %add3A_334 = arith.addf %mul3A_331, %mul3A_333 : f32
    %eq3A_335 = arith.constant 0 : i32
    %eq3A_336 = arith.cmpi eq, %arg0, %eq3A_335 : i32
    %convert_element_type3A_337 = arith.extui %eq3A_336 : i1 to i32
    %cond3A = arith.constant 0 : i32
    %cond3A_338 = arith.cmpi ne, %convert_element_type3A_337, %cond3A : i32
    scf.if %cond3A_338 {
      %broadcast_in_dim3A_346 = arith.constant 0.000000e+00 : f32
      %broadcast_in_dim3A_347 = vector.broadcast %broadcast_in_dim3A_346 : f32 to vector<1x1xf32>
      %swap3A_348 = arith.constant 0 : index
      %swap3A_349 = arith.constant 0 : index
      %swap3A_350 = vector.load %arg21[%swap3A_348, %swap3A_349] : memref<1x1xf32, #tpu.memory_space<vmem>>, vector<1x1xf32>
      tpu.vector_store %arg21[%swap3A_348, %swap3A_349], %broadcast_in_dim3A_347 {strides = array<i32>} : memref<1x1xf32, #tpu.memory_space<vmem>>, vector<1x1xf32>,
    } else {
    }
    %get3A_339 = arith.constant 0 : index
    %get3A_340 = arith.constant 0 : index
    %get3A_341 = vector.load %arg21[%get3A_339, %get3A_340] : memref<1x1xf32, #tpu.memory_space<vmem>>, vector<1x1xf32>
    %add3A_342 = vector.broadcast %add3A_334 : f32 to vector<1x1xf32>
    %add3A_343 = arith.addf %get3A_341, %add3A_342 : vector<1x1xf32>
    %swap3A = arith.constant 0 : index
    %swap3A_344 = arith.constant 0 : index
    %swap3A_345 = vector.load %arg21[%swap3A, %swap3A_344] : memref<1x1xf32, #tpu.memory_space<vmem>>, vector<1x1xf32>
    tpu.vector_store %arg21[%swap3A, %swap3A_344], %add3A_343 {strides = array<i32>} : memref<1x1xf32, #tpu.memory_space<vmem>>, vector<1x1xf32>,
    return
  }
  func.func @transform_0(%arg0: i32) -> (i32, i32) {
    %c0_i32 = arith.constant 0 : i32
    %c0_i32_0 = arith.constant 0 : i32
    return %arg0, %c0_i32 : i32, i32
  }
  func.func @transform_1(%arg0: i32) -> (i32, i32) {
    %add3A = arith.constant 8 : i32
    %add3A_0 = arith.addi %arg0, %add3A : i32
    %c0_i32 = arith.constant 0 : i32
    %c0_i32_1 = arith.constant 0 : i32
    return %add3A_0, %c0_i32 : i32, i32
  }
  func.func @transform_2(%arg0: i32) -> (i32, i32) {
    %add3A = arith.constant 16 : i32
    %add3A_0 = arith.addi %add3A, %arg0 : i32
    %c0_i32 = arith.constant 0 : i32
    %c0_i32_1 = arith.constant 0 : i32
    return %add3A_0, %c0_i32 : i32, i32
  }
  func.func @transform_3(%arg0: i32) -> (i32, i32) {
    %add3A = arith.constant 24 : i32
    %add3A_0 = arith.addi %add3A, %arg0 : i32
    %c0_i32 = arith.constant 0 : i32
    %c0_i32_1 = arith.constant 0 : i32
    return %add3A_0, %c0_i32 : i32, i32
  }
  func.func @transform_4(%arg0: i32) -> (i32, i32) {
    %add3A = arith.constant 32 : i32
    %add3A_0 = arith.addi %add3A, %arg0 : i32
    %c0_i32 = arith.constant 0 : i32
    %c0_i32_1 = arith.constant 0 : i32
    return %add3A_0, %c0_i32 : i32, i32
  }
  func.func @transform_5(%arg0: i32) -> (i32, i32) {
    %add3A = arith.constant 40 : i32
    %add3A_0 = arith.addi %add3A, %arg0 : i32
    %c0_i32 = arith.constant 0 : i32
    %c0_i32_1 = arith.constant 0 : i32
    return %add3A_0, %c0_i32 : i32, i32
  }
  func.func @transform_6(%arg0: i32) -> (i32, i32) {
    %add3A = arith.constant 48 : i32
    %add3A_0 = arith.addi %add3A, %arg0 : i32
    %c0_i32 = arith.constant 0 : i32
    %c0_i32_1 = arith.constant 0 : i32
    return %add3A_0, %c0_i32 : i32, i32
  }
  func.func @transform_7(%arg0: i32) -> (i32, i32) {
    %add3A = arith.constant 56 : i32
    %add3A_0 = arith.addi %add3A, %arg0 : i32
    %c0_i32 = arith.constant 0 : i32
    %c0_i32_1 = arith.constant 0 : i32
    return %add3A_0, %c0_i32 : i32, i32
  }
  func.func @transform_8(%arg0: i32) -> (i32, i32) {
    %add3A = arith.constant 64 : i32
    %add3A_0 = arith.addi %add3A, %arg0 : i32
    %c0_i32 = arith.constant 0 : i32
    %c0_i32_1 = arith.constant 0 : i32
    return %add3A_0, %c0_i32 : i32, i32
  }
  func.func @transform_9(%arg0: i32) -> (i32, i32) {
    %add3A = arith.constant 72 : i32
    %add3A_0 = arith.addi %add3A, %arg0 : i32
    %c0_i32 = arith.constant 0 : i32
    %c0_i32_1 = arith.constant 0 : i32
    return %add3A_0, %c0_i32 : i32, i32
  }
  func.func @transform_10(%arg0: i32) -> (i32, i32) {
    %c0_i32 = arith.constant 0 : i32
    %c0_i32_0 = arith.constant 0 : i32
    %c0_i32_1 = arith.constant 0 : i32
    return %c0_i32, %c0_i32_0 : i32, i32
  }
  func.func @transform_11(%arg0: i32) -> (i32, i32) {
    %c0_i32 = arith.constant 0 : i32
    %c0_i32_0 = arith.constant 0 : i32
    return %arg0, %c0_i32 : i32, i32
  }
  func.func @transform_12(%arg0: i32) -> (i32, i32) {
    %add3A = arith.constant 0 : i32
    %add3A_0 = arith.addi %add3A, %arg0 : i32
    %c0_i32 = arith.constant 0 : i32
    %c0_i32_1 = arith.constant 0 : i32
    return %add3A_0, %c0_i32 : i32, i32
  }
  func.func @transform_13(%arg0: i32) -> (i32, i32) {
    %add3A = arith.constant 8 : i32
    %add3A_0 = arith.addi %add3A, %arg0 : i32
    %c0_i32 = arith.constant 0 : i32
    %c0_i32_1 = arith.constant 0 : i32
    return %add3A_0, %c0_i32 : i32, i32
  }
  func.func @transform_14(%arg0: i32) -> (i32, i32) {
    %add3A = arith.constant 16 : i32
    %add3A_0 = arith.addi %add3A, %arg0 : i32
    %c0_i32 = arith.constant 0 : i32
    %c0_i32_1 = arith.constant 0 : i32
    return %add3A_0, %c0_i32 : i32, i32
  }
  func.func @transform_15(%arg0: i32) -> (i32, i32) {
    %add3A = arith.constant 24 : i32
    %add3A_0 = arith.addi %add3A, %arg0 : i32
    %c0_i32 = arith.constant 0 : i32
    %c0_i32_1 = arith.constant 0 : i32
    return %add3A_0, %c0_i32 : i32, i32
  }
  func.func @transform_16(%arg0: i32) -> (i32, i32) {
    %c0_i32 = arith.constant 0 : i32
    %c0_i32_0 = arith.constant 0 : i32
    %c0_i32_1 = arith.constant 0 : i32
    return %c0_i32, %c0_i32_0 : i32, i32
  }
  func.func @transform_17(%arg0: i32) -> (i32, i32) {
    %c0_i32 = arith.constant 0 : i32
    %c0_i32_0 = arith.constant 0 : i32
    %c0_i32_1 = arith.constant 0 : i32
    return %c0_i32, %c0_i32_0 : i32, i32
  }
  func.func @transform_18(%arg0: i32) -> (i32, i32) {
    %c0_i32 = arith.constant 0 : i32
    %c0_i32_0 = arith.constant 0 : i32
    %c0_i32_1 = arith.constant 0 : i32
    return %c0_i32, %c0_i32_0 : i32, i32
  }
  func.func @transform_19(%arg0: i32) -> (i32, i32) {
    %c0_i32 = arith.constant 0 : i32
    %c0_i32_0 = arith.constant 0 : i32
    %c0_i32_1 = arith.constant 0 : i32
    return %c0_i32, %c0_i32_0 : i32, i32
  }
  func.func @transform_20(%arg0: i32) -> (i32, i32) {
    %c0_i32 = arith.constant 0 : i32
    %c0_i32_0 = arith.constant 0 : i32
    %c0_i32_1 = arith.constant 0 : i32
    return %c0_i32, %c0_i32_0 : i32, i32
  }
}

</mosaic_0001>

<sc_bundles>
// kernel: kernel.4.cloned.1.call-start
scs
__scs_entry_jumppad:
0x0: {  	(pc) =	sbr.rel $0x88, $3  }
0x1: {  	(tag) =	ssettag $0x0;
	lr =	simm.s32 $0x1  }
0x2: {  	[smem:$0x3F99] =	sst lr;
	_ =	strace $0xD0000000  }
0x3: {  	_ = 	snop  }
0x4: {  	_ = 	snop  }
0x5: {  	_ = 	snop  }
0x6: {  	_ = 	snop  }
0x7: {  	_ = 	snop  }
__scs_overlays_trampoline_lowered:
0x8: {  	[smem:$0x3FA8] =	sst s0  }
0x9: {  	[smem:$0x3FA9] =	sst s1  }
0xa: {  	[smem:$0x3FAA] =	sst s2  }
0xb: {  	[smem:$0x3FAB] =	sst s3  }
0xc: {  	[smem:$0x3FAC] =	sst s4  }
0xd: {  	[smem:$0x3FAD] =	sst s5  }
0xe: {  	[smem:$0x3FAE] =	sst s6  }
0xf: {  	[smem:$0x3FAF] =	sst s7  }
0x10: {  	[smem:$0x3FB0] =	sst s8  }
0x11: {  	[smem:$0x3FB1] =	sst s9;
	s0 =	simm.s32 @!p0 $0x0  }
0x12: {  	s1 =	sld [smem:$0x3F97];
	s0 =	simm.s32 @p0 $0x1  }
0x13: {  	[smem:$0x3FB2] =	sst s0;
	s0 =	simm.s32 @!p1 $0x0  }
0x14: {  	s2 =	sld [smem:$0x3F96];
	s0 =	simm.s32 @p1 $0x1  }
0x15: {  	[smem:$0x3FB3] =	sst s0;
	s0 =	simm.s32 @!p2 $0x0  }
0x16: {  	s3 =	sld [smem:$0x3FDB];
	s0 =	simm.s32 @p2 $0x1  }
0x17: {  	s4 =	simm.s32 $0x1BF5;
	[smem:$0x3FB5] =	sst s0  }
0x18: {  	s0 =	sld [smem:$0x3F98];
	_ =	swait.ge [sflag:s4], $0x0  }
0x19: {  	s7 =	sld [smem:$0x3F99]  }
0x1a: {  	s8 =	sadd.s32 $0xFFFFE003, lr  }
0x1b: {  	s9 =	sadd.s32 $0xFFFFFEF7, lr;
	s5 =	simm.s32 $0xFFFFFFFF;
	p2 =	slt.u32 s8, $0xFFFFF086  }
0x1c: {  	p1 =	slt.u32 s9, $0xF7A;
	s5 =	simm.s32 @!p2 $0x0  }
0x1d: {  	s5 =	simm.s32 @p1 $0x1;
	p0 =	seq.s32 s7, s2  }
0x1e: {  	s7 =	smul.u32 @!p0 $0xF7A, s2;
	p2 =	seq.s32 @!p0 s5, $0x0  }
0x1f: {  	s9 =	smul.u32 $0xF7A, s1;
	s8 =	simm.s32 @!p0 $0x1BF5;
	p2 =	por !p2, p0  }
0x20: {  	[sflag:s8] =	ssyncset.s32 @!p0 $0xFFFFF086;
	s6 =	sadd.s32 @!p0 s3, s7;
	s7 =	simm.s32 @!p0 $0x108  }
0x21: {  	s3 =	sadd.s32 s3, s9;
	s6 =	sadd.s32 @!p0 $0x88, s6;
	s7 =	simm.s32 @p2 $0x1082  }
0x22: {  	[simem:s7], [sflag:s8] =	dma.local @!p0 [hbm:s6], $0xF7A  }
0x23: {  	s9 =	sor.u32 $0xD0000000, s2;
	s6 =	simm.s32 $0x108;
	_ =	swait.ge @!p0 [sflag:s8], $0x0  }
0x24: {  	s3 =	sadd.s32 $0x88, s3;
	s6 =	simm.s32 @!p1 $0x1082;
	[sflag:s4] =	ssyncset.s32 $0xFFFFF086  }
0x25: {  	[simem:s6], [sflag:s4] =	dma.local [hbm:s3], $0xF7A  }
0x26: {  	[smem:$0x3F99] =	sst s1;
	(tag) =	ssettag s2;
	_ =	strace s9  }
0x27: {  	s1 =	sld [smem:$0x3FA9]  }
0x28: {  	s2 =	sld [smem:$0x3FAA]  }
0x29: {  	s4 =	sld [smem:$0x3FAC]  }
0x2a: {  	p0 =	seq.s32 s5, $0x0;
	s5 =	sld [smem:$0x3FAD]  }
0x2b: {  	s6 =	sld [smem:$0x3FAE]  }
0x2c: {  	s7 =	sld [smem:$0x3FAF]  }
0x2d: {  	s3 =	simm.s32 $0x108;
	s8 =	sld [smem:$0x3FB0]  }
0x2e: {  	s3 =	simm.s32 @!p0 $0x1082;
	s9 =	sld [smem:$0x3FB1]  }
0x2f: {  	lr =	sadd.s32 s0, s3;
	s0 =	sld [smem:$0x3FA8]  }
0x30: {  	s3 =	sld [smem:$0x3FAB]  }
0x31: {  	[smem:$0x3FB4] =	sst s10  }
0x32: {  	s10 =	sld [smem:$0x3FB2];
	_ =	sdelay $0x3  }
0x33: {  	p0 =	seq.s32 s10, $0x1;
	s10 =	sld [smem:$0x3FB4];
	_ =	sdelay $0x3  }
0x34: {  	[smem:$0x3FB4] =	sst s10  }
0x35: {  	s10 =	sld [smem:$0x3FB3];
	_ =	sdelay $0x3  }
0x36: {  	p1 =	seq.s32 s10, $0x1;
	s10 =	sld [smem:$0x3FB4];
	_ =	sdelay $0x3  }
0x37: {  	[smem:$0x3FB4] =	sst s10  }
0x38: {  	s10 =	sld [smem:$0x3FB5]  }
0x39: {  	_ = 	snop;
	(pc) =	sbr.ind lr, $3  }
0x3a: {  	_ = 	snop  }
0x3b: {  	_ = 	snop  }
0x3c: {  	p2 =	seq.s32 s10, $0x1;
	s10 =	sld [smem:$0x3FB4]  }
0x3d: {  	_ =	shalt  }
0x3e: {  	_ =	shalt  }
0x3f: {  	_ =	shalt  }
0x40: {  	_ =	shalt  }
0x41: {  	_ =	shalt  }
0x42: {  	_ =	shalt  }
0x43: {  	_ =	shalt  }
0x44: {  	_ =	shalt  }
0x45: {  	_ =	shalt  }
0x46: {  	_ =	shalt  }
0x47: {  	_ =	shalt  }
0x48: {  	_ =	shalt  }
0x49: {  	_ =	shalt  }
0x4a: {  	_ =	shalt  }
0x4b: {  	_ =	shalt  }
0x4c: {  	_ =	shalt  }
0x4d: {  	_ =	shalt  }
0x4e: {  	_ =	shalt  }
0x4f: {  	_ =	shalt  }
0x50: {  	_ =	shalt  }
0x51: {  	_ =	shalt  }
0x52: {  	_ =	shalt  }
0x53: {  	_ =	shalt  }
0x54: {  	_ =	shalt  }
0x55: {  	_ =	shalt  }
0x56: {  	_ =	shalt  }
0x57: {  	_ =	shalt  }
0x58: {  	_ =	shalt  }
0x59: {  	_ =	shalt  }
0x5a: {  	_ =	shalt  }
0x5b: {  	_ =	shalt  }
0x5c: {  	_ =	shalt  }
0x5d: {  	_ =	shalt  }
0x5e: {  	_ =	shalt  }
0x5f: {  	_ =	shalt  }
0x60: {  	_ =	shalt  }
0x61: {  	_ =	shalt  }
0x62: {  	_ =	shalt  }
0x63: {  	_ =	shalt  }
0x64: {  	_ =	shalt  }
0x65: {  	_ =	shalt  }
0x66: {  	_ =	shalt  }
0x67: {  	_ =	shalt  }
0x68: {  	_ =	shalt  }
0x69: {  	_ =	shalt  }
0x6a: {  	_ =	shalt  }
0x6b: {  	_ =	shalt  }
0x6c: {  	_ =	shalt  }
0x6d: {  	_ =	shalt  }
0x6e: {  	_ =	shalt  }
0x6f: {  	_ =	shalt  }
0x70: {  	_ =	shalt  }
0x71: {  	_ =	shalt  }
0x72: {  	_ =	shalt  }
0x73: {  	_ =	shalt  }
0x74: {  	_ =	shalt  }
0x75: {  	_ =	shalt  }
0x76: {  	_ =	shalt  }
0x77: {  	_ =	shalt  }
0x78: {  	_ =	shalt  }
0x79: {  	_ =	shalt  }
0x7a: {  	_ =	shalt  }
0x7b: {  	_ =	shalt  }
0x7c: {  	_ =	shalt  }
0x7d: {  	_ =	shalt  }
0x7e: {  	_ =	shalt  }
0x7f: {  	_ =	shalt  }
0x80: {  	_ =	shalt  }
0x81: {  	_ =	shalt  }
0x82: {  	_ =	shalt  }
0x83: {  	_ =	shalt  }
0x84: {  	_ =	shalt  }
0x85: {  	_ =	shalt  }
0x86: {  	_ =	shalt  }
0x87: {  	_ =	shalt  }
.Lfunc_end0:
.L_simem_size_0:
called_computation_lowered:
.L_overlay_start_0:
0x88: {  	s2 =	sld [smem:$0x3FD9]  }
0x89: {  	s3 =	sld [smem:$0x3FFE];
	_ =	sdelay $0x1  }
0x8a: {  	s1 =	srdreg.scid  }
0x8b: {  	s0 =	sand.u32 $0x1, s1  }
0x8c: {  	s17 =	sshll.u32 s0, $0xA;
	s2 =	sadd.s32 s3, s2  }
0x8d: {  	s2 =	sadd.s32 s2, s17  }
0x8e: {  	[smem:$0x3FC0] =	sst s2  }
0x8f: {  	_ = 	snop  }
0x90: {  	s2 =	sld [smem:$0x3FC7]  }
0x91: {  	s18 =	sld [smem:$0x3FC6]  }
0x92: {  	s4 =	sld [smem:$0x3FC5]  }
0x93: {  	s5 =	sld [smem:$0x3FD0];
	(tm) =	ssettm $0x1  }
0x94: {  	s6 =	sld [smem:$0x3FFB];
	_ =	sdelay $0x3  }
0x95: {  	_ =	strace s6  }
0x96: {  	s6 =	sld [smem:$0x3FFC];
	_ =	sdelay $0x3  }
0x97: {  	_ =	strace s6  }
0x98: {  	s6 =	sld [smem:$0x3FFD];
	_ =	sdelay $0x3  }
0x99: {  	_ =	strace s6  }
0x9a: {  	_ =	strace $0x8FFFFFFF  }
0x9b: {  	s19 =	sld [smem:$0x3FDB];
	_ =	sdelay $0x1  }
0x9c: {  	s7 =	simm.s32 $_scs_section_size  }
0x9d: {  	s8 =	simm.s32 $_size__tile_overlayer_lowered;
	s9 =	simm.s32 $_tile_overlayer_lowered  }
0x9e: {  	s22 =	simm.s32 $0x1BFF;
	s21 =	sshll.u32 s9, $0x1;
	s6 =	sadd.s32 s7, s19  }
0x9f: {  	s10 =	simm.s32 $0x0;
	s20 =	sshll.u32 s8, $0x1;
	s8 =	sadd.s32 s21, s6  }
0xa0: {  	[timem:s10], [sflag:s22] =	dma.local [hbm:s8], s20  }
0xa1: {  	_ =	swait.ge [sflag:s22], s20  }
0xa2: {  	s7 =	ssub.s32 $0x0, s20;
	[sflag:s22] =	ssyncset.done $0x0  }
0xa3: {  	[sflag:s22] =	ssyncadd.s32 s7;
	_ =	sdelay $0x1  }
0xa4: {  	s23 =	simm.s32 $0x1B8B  }
0xa5: {  	_ =	swait.ge [sflag:s23], $0x1  }
0xa6: {  	[sflag:s23] =	ssyncset.done $0x0  }
0xa7: {  	s25 =	simm.s32 $0x1B8E;
	s24 =	sld [smem:$0x3FFE];
	[sflag:s23] =	ssyncadd.s32 $0xFFFFFFFF  }
0xa8: {  	s26 =	simm.s32 $execute0_lowered;
	[smem:$0x3FD2] =	sst s25  }
0xa9: {  	s8 =	sshll.u32 s26, $0x1;
	_ =	strace $0x80000046;
	[dreg:$0x1] =	wrdreg $0xFFFFFFFF  }
0xaa: {  	s28 =	simm.s32 $_size_execute0_lowered;
	s6 =	sadd.s32 s6, s8;
	[dreg:$0x0] =	wrdreg $0x0  }
0xab: {  	s8 =	sshll.u32 s28, $0x1;
	[dreg:$0x2] =	wrdreg s6  }
0xac: {  	[dreg:$0x3] =	wrdreg s8  }
0xad: {  	[dreg:$0x4] =	wrdreg $0xC0  }
0xae: {  	_ =	task [dreg:s10], $0x5FFFF  }
0xaf: {  	[dreg:$0x1] =	wrdreg $0xFFFFFFFF  }
0xb0: {  	[dreg:$0x0] =	wrdreg $0x60  }
0xb1: {  	[dreg:$0x2] =	wrdreg s2  }
0xb2: {  	[dreg:$0x3] =	wrdreg s18  }
0xb3: {  	[dreg:$0x4] =	wrdreg s4  }
0xb4: {  	[dreg:$0x5] =	wrdreg s24  }
0xb5: {  	[dreg:$0x6] =	wrdreg s5  }
0xb6: {  	[dreg:$0x7] =	wrdreg $0x9  }
0xb7: {  	_ =	task.clear_ibuf [dreg:s10], $0x8FFFF;
	_ =	strace $0x90000046  }
0xb8: {  	s29 =	simm.s32 $0x9;
	_ =	strace $0x80000048  }
0xb9: {  	_ =	swait.ge [sflag:s29], $0x1  }
0xba: {  	[sflag:s29] =	ssyncadd.s32 $0xFFFFFFFF  }
0xbb: {  	_ =	strace $0x90000048  }
0xbc: {  	_ =	sfence  }
0xbd: {  	s30 =	sld [smem:$0x0];
	_ =	sdelay $0x2  }
0xbe: {  	s31 =	sshll.u32 s1, $0xD;
	s1 =	sshrl.u32 s1, $0x2  }
0xbf: {  	s3 =	sand.u32 $0x4000, s31;
	s1 =	sadd.s32 s1, s30  }
0xc0: {  	s0 =	sor.u32 s3, s0;
	s1 =	sshll.u32 s1, $0x11  }
0xc1: {  	s0 =	sor.u32 s1, s0  }
0xc2: {  	s0 =	sadd.s32 $0x8F2B, s0  }
0xc3: {  	[sflag:s0] =	ssyncadd.remote.s32 $0x1  }
0xc4: {  	_ =	sfence.sel $0xFFFF  }
0xc5: {  	[dreg:$0x0] =	wrdreg $0xFFFFFFFF;
	(pc) =	sbr.abs _section_cstart, $3  }
0xc6: {  	[dreg:$0x1] =	wrdreg $0xFFFFFFFF  }
0xc7: {  	_ =	task.clear_ibuf [dreg:s10], $0x2FFFF;
	_ =	strace $0x9FFFFFFF  }
0xc8: {  	(tm) =	ssettm $0x7FFFFFFF  }
0xc9: {  	_ =	shalt  }
tec
execute0_lowered:
.L_overlay_start_1:
0x0: {  	(tag) =	ssettag $0x1  }
0x1: {  	s3 =	rddreg [dreg:$0x0]  }
0x2: {  	s0 =	rddreg [dreg:$0x1]  }
0x3: {  	s21 =	rddreg [dreg:$0x2]  }
0x4: {  	s22 =	rddreg [dreg:$0x3]  }
0x5: {  	s1 =	rddreg [dreg:$0x4]  }
0x6: {  	s2 =	srdreg.scid;
	s19 =	stileid.u32  }
0x7: {  	s28 =	rddreg [dreg:$0x5];
	s16 =	simm.s32 $0x80;
	s20 =	simm.s32 $0x100  }
0x8: {  	s17 =	simm.s32 $0x2;
	s18 =	simm.s32 $0x3;
	[dreg:$0x6] =	wrdreg s0  }
0x9: {  	s15 =	simm.s32 $0x4;
	s14 =	simm.s32 $0x5;
	[dreg:$0x7] =	wrdreg s21  }
0xa: {  	s30 =	simm.s32 $0x480;
	p1 =	por $0x0, $0x0;
	[dreg:$0x8] =	wrdreg s1  }
0xb: {  	s23 =	sand.u32 $0x1, s2;
	s4 =	sshll.u32 s19, $0x1;
	s2 =	simm.s32 $0x0  }
0xc: {  	s6 =	sadd.s32 $0x2000, s22;
	s24 =	sadd.s32 $0x2200, s22;
	s0 =	sadd.s32 $0x2400, s22  }
0xd: {  	s21 =	simm.s32 $0x180;
	s4 =	sor.u32 s23, s4;
	[smem:$0x7FF] =	sst s2  }
0xe: {  	s5 =	smul.u32 $0xA0, s4;
	_ =	strace $0x80000047;
	[dreg:$0x9] =	wrdreg s6  }
0xf: {  	s1 =	ssub.s32 $0x2, s23;
	s7 =	smul.u32 $0x5000, s4;
	[dreg:$0xa] =	wrdreg s24  }
0x10: {  	s23 =	simm.s32 $0x280;
	s8 =	smul.u32 $0x28000, s4;
	[dreg:$0x15] =	wrdreg s20  }
0x11: {  	s11 =	sshrl.u32 s1, $0x1;
	p0 =	sne.s32 s4, $0x0;
	[dreg:$0x16] =	wrdreg s21  }
0x12: {  	s4 =	simm.s32 $0xC580;
	[dreg:$0x18] =	wrdreg s23;
	s20 =	simm.s32 $0x14580  }
0x13: {  	s24 =	simm.s32 $0x300;
	s21 =	simm.s32 $0x6;
	s23 =	simm.s32 $0x7  }
0x14: {  	s1 =	ssub.s32 s1, s11;
	s11 =	simm.s32 $0x10580;
	[dreg:$0x19] =	wrdreg s24  }
0x15: {  	s5 =	sadd.s32 s5, s22;
	s29 =	sadd.s32 s0, s7;
	s22 =	simm.s32 $0x200  }
0x16: {  	s25 =	sshrl.u32 s8, $0x3;
	s5 =	sadd.s32 $0xC00, s5;
	[dreg:$0x17] =	wrdreg s22  }
0x17: {  	s26 =	sadd.s32 $0x800, s29;
	s0 =	sadd.s32 s0, s25;
	[dreg:$0xb] =	wrdreg s5  }
0x18: {  	s13 =	smax.u32 s1, $0x1;
	[dreg:$0xc] =	wrdreg s26;
	s31 =	sadd.s32 $0x1000, s0  }
0x19: {  	s25 =	simm.s32 $0xE;
	s6 =	sadd.s32 $0x1800, s0;
	[dreg:$0xd] =	wrdreg s31  }
0x1a: {  	s7 =	sadd.s32 $0x2000, s0;
	s8 =	sadd.s32 $0x2800, s0;
	[dreg:$0xe] =	wrdreg s6  }
0x1b: {  	s9 =	sadd.s32 $0x3000, s0;
	s10 =	sadd.s32 $0x3800, s0;
	[dreg:$0xf] =	wrdreg s7  }
0x1c: {  	s12 =	sadd.s32 $0x4000, s0;
	s0 =	sadd.s32 $0x4800, s0;
	[dreg:$0x10] =	wrdreg s8  }
0x1d: {  	s22 =	simm.s32 $0xC;
	[dreg:$0x14] =	wrdreg s0;
	s0 =	sadd.s32 $0xFFFFFFFF, s13  }
0x1e: {  	s5 =	simm.s32 $0x8580;
	[dreg:$0x11] =	wrdreg s9;
	p2 =	sne.s32 s0, $0x0  }
.Ltmp0:
0x1f: {  	s26 =	simm.s32 $0x380;
	[dreg:$0x12] =	wrdreg s10;
	(pc) =	sbr.rel @!p2 .LBB2_1-.Ltmp0, $4  }
0x20: {  	[dreg:$0x13] =	wrdreg s12;
	s12 =	simm.s32 $0x580;
	s7 =	simm.s32 $0x4580  }
0x21: {  	s6 =	simm.s32 $0x8;
	s8 =	simm.s32 $0x9;
	[dreg:$0x1a] =	wrdreg s26  }
0x22: {  	s9 =	simm.s32 $0xA;
	s31 =	simm.s32 $0x400;
	s24 =	rddreg [dreg:$0xb]  }
0x23: {  	s10 =	simm.s32 $0xB;
	s13 =	simm.s32 $0xD;
	[dreg:$0x1b] =	wrdreg s31  }
0x24: {  	[tilespmem:s2], [sflag:$0xE] =	stream.linear.gather [hbm4b:s24+s2], $0x500, $0x38;
	[tilespmem:$0x19580] =	vst v63  }
0x25: {  	_ =	swait.ge [sflag:s25], $0x500  }
0x26: {  	[sflag:s25] =	ssyncset.done $0x0  }
0x27: {  	[sflag:s25] =	ssyncadd.s32 $0xFFFFFB00  }
0x28: {  	[tilespmem:s12], [sflag:$0x2] =	stream.indirect.gather [hbm4b:s3+s16], $0x80, s2, s16, $0xb8;
	[tilespmem:$0x19580] =	vst v63  }
0x29: {  	_ = 	snop  }
0x2a: {  	[tilespmem:s7], [sflag:$0x3] =	stream.indirect.gather [hbm4b:s3+s16], $0x80, s16, s16, $0xb8;
	[tilespmem:$0x19580] =	vst v63  }
0x2b: {  	s1 =	rddreg [dreg:$0x15]  }
0x2c: {  	[tilespmem:s5], [sflag:$0x4] =	stream.indirect.gather [hbm4b:s3+s16], $0x80, s1, s16, $0xb8;
	[tilespmem:$0x19580] =	vst v63  }
0x2d: {  	s19 =	rddreg [dreg:$0x16]  }
0x2e: {  	[tilespmem:s4], [sflag:$0x5] =	stream.indirect.gather [hbm4b:s3+s16], $0x80, s19, s16, $0xb8;
	[tilespmem:$0x19580] =	vst v63  }
0x2f: {  	s26 =	rddreg [dreg:$0x17]  }
0x30: {  	[tilespmem:s11], [sflag:$0x6] =	stream.indirect.gather [hbm4b:s3+s16], $0x80, s26, s16, $0xb8;
	[tilespmem:$0x19580] =	vst v63  }
0x31: {  	s19 =	rddreg [dreg:$0x18]  }
0x32: {  	[tilespmem:s20], [sflag:$0x7] =	stream.indirect.gather [hbm4b:s3+s16], $0x80, s19, s16, $0xb8;
	[tilespmem:$0x19580] =	vst v63  }
0x33: {  	_ =	swait.ge [sflag:s17], $0x4000  }
0x34: {  	[sflag:s17] =	ssyncset.done $0x0  }
0x35: {  	[sflag:s17] =	ssyncadd.s32 $0xFFFFC000  }
0x36: {  	[hbm4b:s29+s2] =	stream.linear.scatter [tilespmem:s12], [sflag:$0x8], $0x4000, $0x38;
	[tilespmem:$0x19580] =	vst v63  }
0x37: {  	_ =	swait.ge [sflag:s6], $0x4000  }
0x38: {  	[sflag:s6] =	ssyncset.done $0x0  }
0x39: {  	s26 =	rddreg [dreg:$0x19];
	[sflag:s6] =	ssyncadd.s32 $0xFFFFC000  }
0x3a: {  	[tilespmem:s12], [sflag:$0x2] =	stream.indirect.gather [hbm4b:s3+s16], $0x80, s26, s16, $0xb8;
	[tilespmem:$0x19580] =	vst v63  }
0x3b: {  	_ =	swait.ge [sflag:s18], $0x4000  }
0x3c: {  	[sflag:s18] =	ssyncset.done $0x0  }
0x3d: {  	s19 =	rddreg [dreg:$0xc];
	[sflag:s18] =	ssyncadd.s32 $0xFFFFC000  }
0x3e: {  	[hbm4b:s19+s2] =	stream.linear.scatter [tilespmem:s7], [sflag:$0x9], $0x4000, $0x38;
	[tilespmem:$0x19580] =	vst v63  }
0x3f: {  	_ =	swait.ge [sflag:s8], $0x4000  }
0x40: {  	[sflag:s8] =	ssyncset.done $0x0  }
0x41: {  	s24 =	rddreg [dreg:$0x1a];
	[sflag:s8] =	ssyncadd.s32 $0xFFFFC000  }
0x42: {  	[tilespmem:s7], [sflag:$0x3] =	stream.indirect.gather [hbm4b:s3+s16], $0x80, s24, s16, $0xb8;
	[tilespmem:$0x19580] =	vst v63  }
0x43: {  	_ =	swait.ge [sflag:s15], $0x4000  }
0x44: {  	[sflag:s15] =	ssyncset.done $0x0  }
0x45: {  	s26 =	rddreg [dreg:$0xd];
	[sflag:s15] =	ssyncadd.s32 $0xFFFFC000  }
0x46: {  	[hbm4b:s26+s2] =	stream.linear.scatter [tilespmem:s5], [sflag:$0xA], $0x4000, $0x38;
	[tilespmem:$0x19580] =	vst v63  }
0x47: {  	_ =	swait.ge [sflag:s9], $0x4000  }
0x48: {  	[sflag:s9] =	ssyncset.done $0x0  }
0x49: {  	s19 =	rddreg [dreg:$0x1b];
	[sflag:s9] =	ssyncadd.s32 $0xFFFFC000  }
0x4a: {  	[tilespmem:s5], [sflag:$0x4] =	stream.indirect.gather [hbm4b:s3+s16], $0x80, s19, s16, $0xb8;
	[tilespmem:$0x19580] =	vst v63  }
0x4b: {  	_ =	swait.ge [sflag:s14], $0x4000  }
0x4c: {  	[sflag:s14] =	ssyncset.done $0x0  }
0x4d: {  	s24 =	rddreg [dreg:$0xe];
	[sflag:s14] =	ssyncadd.s32 $0xFFFFC000  }
0x4e: {  	[hbm4b:s24+s2] =	stream.linear.scatter [tilespmem:s4], [sflag:$0xB], $0x4000, $0x38;
	[tilespmem:$0x19580] =	vst v63  }
0x4f: {  	_ =	swait.ge [sflag:s10], $0x4000  }
0x50: {  	[sflag:s10] =	ssyncset.done $0x0  }
0x51: {  	[sflag:s10] =	ssyncadd.s32 $0xFFFFC000  }
0x52: {  	[tilespmem:s4], [sflag:$0x5] =	stream.indirect.gather [hbm4b:s3+s16], $0x80, s30, s16, $0xb8;
	[tilespmem:$0x19580] =	vst v63  }
0x53: {  	_ =	swait.ge [sflag:s21], $0x4000  }
0x54: {  	[sflag:s21] =	ssyncset.done $0x0  }
0x55: {  	s26 =	rddreg [dreg:$0xf];
	[sflag:s21] =	ssyncadd.s32 $0xFFFFC000  }
0x56: {  	[hbm4b:s26+s2] =	stream.linear.scatter [tilespmem:s11], [sflag:$0xC], $0x4000, $0x38;
	[tilespmem:$0x19580] =	vst v63  }
0x57: {  	_ =	swait.ge [sflag:s23], $0x4000  }
0x58: {  	[sflag:s23] =	ssyncset.done $0x0  }
0x59: {  	s19 =	rddreg [dreg:$0x10];
	[sflag:s23] =	ssyncadd.s32 $0xFFFFC000  }
0x5a: {  	[hbm4b:s19+s2] =	stream.linear.scatter [tilespmem:s20], [sflag:$0xD], $0x4000, $0x38;
	[tilespmem:$0x19580] =	vst v63  }
0x5b: {  	_ =	swait.ge [sflag:s17], $0x4000  }
0x5c: {  	[sflag:s17] =	ssyncset.done $0x0  }
0x5d: {  	s21 =	rddreg [dreg:$0x11];
	[sflag:s17] =	ssyncadd.s32 $0xFFFFC000  }
0x5e: {  	[hbm4b:s21+s2] =	stream.linear.scatter [tilespmem:s12], [sflag:$0x8], $0x4000, $0x38;
	[tilespmem:$0x19580] =	vst v63  }
0x5f: {  	_ =	swait.ge [sflag:s18], $0x4000  }
0x60: {  	[sflag:s18] =	ssyncset.done $0x0  }
0x61: {  	s23 =	rddreg [dreg:$0x12];
	[sflag:s18] =	ssyncadd.s32 $0xFFFFC000  }
0x62: {  	[hbm4b:s23+s2] =	stream.linear.scatter [tilespmem:s7], [sflag:$0x9], $0x4000, $0x38;
	[tilespmem:$0x19580] =	vst v63  }
0x63: {  	_ =	swait.ge [sflag:s15], $0x4000  }
0x64: {  	[sflag:s15] =	ssyncset.done $0x0  }
0x65: {  	s24 =	rddreg [dreg:$0x13];
	[sflag:s15] =	ssyncadd.s32 $0xFFFFC000  }
0x66: {  	[hbm4b:s24+s2] =	stream.linear.scatter [tilespmem:s5], [sflag:$0xA], $0x4000, $0x38;
	[tilespmem:$0x19580] =	vst v63  }
0x67: {  	_ =	swait.ge [sflag:s14], $0x4000  }
0x68: {  	[sflag:s14] =	ssyncset.done $0x0  }
0x69: {  	s26 =	rddreg [dreg:$0x14];
	[sflag:s14] =	ssyncadd.s32 $0xFFFFC000  }
0x6a: {  	[hbm4b:s26+s2] =	stream.linear.scatter [tilespmem:s4], [sflag:$0xB], $0x4000, $0x38;
	[tilespmem:$0x19580] =	vst v63  }
0x6b: {  	_ =	swait.ge [sflag:s6], $0x4000  }
0x6c: {  	[sflag:s6] =	ssyncset.done $0x0  }
0x6d: {  	[sflag:s6] =	ssyncadd.s32 $0xFFFFC000  }
0x6e: {  	_ =	swait.ge [sflag:s8], $0x4000  }
0x6f: {  	[sflag:s8] =	ssyncset.done $0x0  }
0x70: {  	[sflag:s8] =	ssyncadd.s32 $0xFFFFC000  }
0x71: {  	_ =	swait.ge [sflag:s9], $0x4000  }
0x72: {  	[sflag:s9] =	ssyncset.done $0x0  }
0x73: {  	[sflag:s9] =	ssyncadd.s32 $0xFFFFC000  }
0x74: {  	_ =	swait.ge [sflag:s10], $0x4000  }
0x75: {  	[sflag:s10] =	ssyncset.done $0x0  }
0x76: {  	[sflag:s10] =	ssyncadd.s32 $0xFFFFC000  }
0x77: {  	_ =	swait.ge [sflag:s22], $0x4000  }
0x78: {  	[sflag:s22] =	ssyncset.done $0x0  }
0x79: {  	[sflag:s22] =	ssyncadd.s32 $0xFFFFC000  }
0x7a: {  	s28 =	simm.s32 @!p0 $0x0;
	_ =	swait.ge [sflag:s13], $0x4000  }
0x7b: {  	s26 =	simm.s32 @!p0 $0xE;
	[dreg:$0x1c] =	wrdreg s29;
	[sflag:s13] =	ssyncset.done $0x0  }
0x7c: {  	s29 =	simm.s32 @!p0 $0x500;
	s1 =	rddreg [dreg:$0x8];
	[sflag:s13] =	ssyncadd.s32 $0xFFFFC000  }
0x7d: {  	[tilespmem:s29], [sflag:$0xE] =	stream.linear.gather @!p0 [hbm4b:s1+s28], $0x80, $0x38;
	[tilespmem:$0x19580] =	vst v63  }
0x7e: {  	_ =	swait.ge @!p0 [sflag:s26], $0x80  }
0x7f: {  	s31 =	simm.s32 @!p0 $0x20;
	s30 =	simm.s32 @!p0 $0x1;
	[sflag:s26] =	ssyncset.done @!p0 $0x0  }
0x80: {  	s1 =	simm.s32 @!p0 $0x18580;
	s24 =	rddreg [dreg:$0x6];
	[sflag:s26] =	ssyncadd.s32 @!p0 $0xFFFFFF80  }
0x81: {  	[tilespmem:s1], [sflag:$0x1] =	stream.indirect.gather @!p0 [hbm4b:s24+s31], $0x80, s29, s31, $0xb8;
	[tilespmem:$0x19580] =	vst v63  }
0x82: {  	_ =	swait.ge @!p0 [sflag:s30], $0x1000  }
0x83: {  	[sflag:s30] =	ssyncset.done @!p0 $0x0  }
0x84: {  	s24 =	rddreg [dreg:$0x9];
	[sflag:s30] =	ssyncadd.s32 @!p0 $0xFFFFF000  }
0x85: {  	[hbm4b:s24+s28] =	stream.linear.scatter @!p0 [tilespmem:s1], [sflag:$0xE], $0x1000, $0x38;
	[tilespmem:$0x19580] =	vst v63  }
0x86: {  	_ =	swait.ge @!p0 [sflag:s26], $0x1000  }
0x87: {  	s0 =	sadd.s32 $0xFFFFFFFF, s0;
	[sflag:s26] =	ssyncset.done @!p0 $0x0  }
0x88: {  	p1 =	por $0x1, $0x1;
	s24 =	rddreg [dreg:$0x7];
	[sflag:s26] =	ssyncadd.s32 @!p0 $0xFFFFF000  }
0x89: {  	[tilespmem:s1], [sflag:$0x1] =	stream.indirect.gather @!p0 [hbm4b:s24+s31], $0x80, s29, s31, $0xb8;
	[tilespmem:$0x19580] =	vst v63  }
0x8a: {  	p2 =	sne.s32 s0, $0x0;
	s11 =	simm.s32 $0x10580;
	_ =	swait.ge @!p0 [sflag:s30], $0x1000  }
.Ltmp1:
0x8b: {  	s20 =	simm.s32 $0x6;
	[sflag:s30] =	ssyncset.done @!p0 $0x0;
	(pc) =	sbr.rel @!p2 .LBB2_3-.Ltmp1, $4  }
0x8c: {  	s21 =	simm.s32 $0x14580;
	s24 =	rddreg [dreg:$0xa];
	[sflag:s30] =	ssyncadd.s32 @!p0 $0xFFFFF000  }
0x8d: {  	[hbm4b:s24+s28] =	stream.linear.scatter @!p0 [tilespmem:s1], [sflag:$0xE], $0x1000, $0x38;
	[tilespmem:$0x19580] =	vst v63  }
0x8e: {  	s23 =	simm.s32 $0x7;
	s22 =	simm.s32 $0xC;
	_ =	swait.ge @!p0 [sflag:s26], $0x1000  }
0x8f: {  	s13 =	simm.s32 $0xD;
	s24 =	rddreg [dreg:$0xb];
	[sflag:s26] =	ssyncset.done @!p0 $0x0  }
.LBB2_4:
0x90: {  	[sflag:s26] =	ssyncadd.s32 @!p0 $0xFFFFF000  }
0x91: {  	[tilespmem:s2], [sflag:$0xE] =	stream.linear.gather [hbm4b:s24+s2], $0x500, $0x38;
	[tilespmem:$0x19580] =	vst v63  }
0x92: {  	_ =	swait.ge [sflag:s25], $0x500  }
0x93: {  	[sflag:s25] =	ssyncset.done $0x0  }
0x94: {  	[sflag:s25] =	ssyncadd.s32 $0xFFFFFB00  }
0x95: {  	[tilespmem:s12], [sflag:$0x2] =	stream.indirect.gather [hbm4b:s3+s16], $0x80, s2, s16, $0xb8;
	[tilespmem:$0x19580] =	vst v63  }
0x96: {  	_ = 	snop  }
0x97: {  	[tilespmem:s7], [sflag:$0x3] =	stream.indirect.gather [hbm4b:s3+s16], $0x80, s16, s16, $0xb8;
	[tilespmem:$0x19580] =	vst v63  }
0x98: {  	s24 =	rddreg [dreg:$0x15]  }
0x99: {  	[tilespmem:s5], [sflag:$0x4] =	stream.indirect.gather [hbm4b:s3+s16], $0x80, s24, s16, $0xb8;
	[tilespmem:$0x19580] =	vst v63  }
0x9a: {  	s19 =	rddreg [dreg:$0x16]  }
0x9b: {  	[tilespmem:s4], [sflag:$0x5] =	stream.indirect.gather [hbm4b:s3+s16], $0x80, s19, s16, $0xb8;
	[tilespmem:$0x19580] =	vst v63  }
0x9c: {  	s24 =	rddreg [dreg:$0x17]  }
0x9d: {  	[tilespmem:s11], [sflag:$0x6] =	stream.indirect.gather [hbm4b:s3+s16], $0x80, s24, s16, $0xb8;
	[tilespmem:$0x19580] =	vst v63  }
0x9e: {  	s19 =	rddreg [dreg:$0x18]  }
0x9f: {  	[tilespmem:s21], [sflag:$0x7] =	stream.indirect.gather [hbm4b:s3+s16], $0x80, s19, s16, $0xb8;
	[tilespmem:$0x19580] =	vst v63  }
0xa0: {  	_ =	swait.ge [sflag:s17], $0x4000  }
0xa1: {  	[sflag:s17] =	ssyncset.done $0x0  }
0xa2: {  	s24 =	rddreg [dreg:$0x1c];
	[sflag:s17] =	ssyncadd.s32 $0xFFFFC000  }
0xa3: {  	[hbm4b:s24+s2] =	stream.linear.scatter [tilespmem:s12], [sflag:$0x8], $0x4000, $0x38;
	[tilespmem:$0x19580] =	vst v63  }
0xa4: {  	_ =	swait.ge [sflag:s6], $0x4000  }
0xa5: {  	[sflag:s6] =	ssyncset.done $0x0  }
0xa6: {  	s24 =	rddreg [dreg:$0x19];
	[sflag:s6] =	ssyncadd.s32 $0xFFFFC000  }
0xa7: {  	[tilespmem:s12], [sflag:$0x2] =	stream.indirect.gather [hbm4b:s3+s16], $0x80, s24, s16, $0xb8;
	[tilespmem:$0x19580] =	vst v63  }
0xa8: {  	_ =	swait.ge [sflag:s18], $0x4000  }
0xa9: {  	[sflag:s18] =	ssyncset.done $0x0  }
0xaa: {  	s24 =	rddreg [dreg:$0xc];
	[sflag:s18] =	ssyncadd.s32 $0xFFFFC000  }
0xab: {  	[hbm4b:s24+s2] =	stream.linear.scatter [tilespmem:s7], [sflag:$0x9], $0x4000, $0x38;
	[tilespmem:$0x19580] =	vst v63  }
0xac: {  	_ =	swait.ge [sflag:s8], $0x4000  }
0xad: {  	[sflag:s8] =	ssyncset.done $0x0  }
0xae: {  	s24 =	rddreg [dreg:$0x1a];
	[sflag:s8] =	ssyncadd.s32 $0xFFFFC000  }
0xaf: {  	[tilespmem:s7], [sflag:$0x3] =	stream.indirect.gather [hbm4b:s3+s16], $0x80, s24, s16, $0xb8;
	[tilespmem:$0x19580] =	vst v63  }
0xb0: {  	_ =	swait.ge [sflag:s15], $0x4000  }
0xb1: {  	[sflag:s15] =	ssyncset.done $0x0  }
0xb2: {  	s24 =	rddreg [dreg:$0xd];
	[sflag:s15] =	ssyncadd.s32 $0xFFFFC000  }
0xb3: {  	[hbm4b:s24+s2] =	stream.linear.scatter [tilespmem:s5], [sflag:$0xA], $0x4000, $0x38;
	[tilespmem:$0x19580] =	vst v63  }
0xb4: {  	_ =	swait.ge [sflag:s9], $0x4000  }
0xb5: {  	[sflag:s9] =	ssyncset.done $0x0  }
0xb6: {  	s24 =	rddreg [dreg:$0x1b];
	[sflag:s9] =	ssyncadd.s32 $0xFFFFC000  }
0xb7: {  	[tilespmem:s5], [sflag:$0x4] =	stream.indirect.gather [hbm4b:s3+s16], $0x80, s24, s16, $0xb8;
	[tilespmem:$0x19580] =	vst v63  }
0xb8: {  	_ =	swait.ge [sflag:s14], $0x4000  }
0xb9: {  	[sflag:s14] =	ssyncset.done $0x0  }
0xba: {  	s24 =	rddreg [dreg:$0xe];
	[sflag:s14] =	ssyncadd.s32 $0xFFFFC000  }
0xbb: {  	[hbm4b:s24+s2] =	stream.linear.scatter [tilespmem:s4], [sflag:$0xB], $0x4000, $0x38;
	[tilespmem:$0x19580] =	vst v63  }
0xbc: {  	_ =	swait.ge [sflag:s10], $0x4000  }
0xbd: {  	[sflag:s10] =	ssyncset.done $0x0  }
0xbe: {  	s24 =	simm.s32 $0x480;
	[sflag:s10] =	ssyncadd.s32 $0xFFFFC000  }
0xbf: {  	[tilespmem:s4], [sflag:$0x5] =	stream.indirect.gather [hbm4b:s3+s16], $0x80, s24, s16, $0xb8;
	[tilespmem:$0x19580] =	vst v63  }
0xc0: {  	_ =	swait.ge [sflag:s20], $0x4000  }
0xc1: {  	[sflag:s20] =	ssyncset.done $0x0  }
0xc2: {  	s24 =	rddreg [dreg:$0xf];
	[sflag:s20] =	ssyncadd.s32 $0xFFFFC000  }
0xc3: {  	[hbm4b:s24+s2] =	stream.linear.scatter [tilespmem:s11], [sflag:$0xC], $0x4000, $0x38;
	[tilespmem:$0x19580] =	vst v63  }
0xc4: {  	_ =	swait.ge [sflag:s23], $0x4000  }
0xc5: {  	[sflag:s23] =	ssyncset.done $0x0  }
0xc6: {  	s24 =	rddreg [dreg:$0x10];
	[sflag:s23] =	ssyncadd.s32 $0xFFFFC000  }
0xc7: {  	[hbm4b:s24+s2] =	stream.linear.scatter [tilespmem:s21], [sflag:$0xD], $0x4000, $0x38;
	[tilespmem:$0x19580] =	vst v63  }
0xc8: {  	_ =	swait.ge [sflag:s17], $0x4000  }
0xc9: {  	[sflag:s17] =	ssyncset.done $0x0  }
0xca: {  	s24 =	rddreg [dreg:$0x11];
	[sflag:s17] =	ssyncadd.s32 $0xFFFFC000  }
0xcb: {  	[hbm4b:s24+s2] =	stream.linear.scatter [tilespmem:s12], [sflag:$0x8], $0x4000, $0x38;
	[tilespmem:$0x19580] =	vst v63  }
0xcc: {  	_ =	swait.ge [sflag:s18], $0x4000  }
0xcd: {  	[sflag:s18] =	ssyncset.done $0x0  }
0xce: {  	s24 =	rddreg [dreg:$0x12];
	[sflag:s18] =	ssyncadd.s32 $0xFFFFC000  }
0xcf: {  	[hbm4b:s24+s2] =	stream.linear.scatter [tilespmem:s7], [sflag:$0x9], $0x4000, $0x38;
	[tilespmem:$0x19580] =	vst v63  }
0xd0: {  	_ =	swait.ge [sflag:s15], $0x4000  }
0xd1: {  	[sflag:s15] =	ssyncset.done $0x0  }
0xd2: {  	s24 =	rddreg [dreg:$0x13];
	[sflag:s15] =	ssyncadd.s32 $0xFFFFC000  }
0xd3: {  	[hbm4b:s24+s2] =	stream.linear.scatter [tilespmem:s5], [sflag:$0xA], $0x4000, $0x38;
	[tilespmem:$0x19580] =	vst v63  }
0xd4: {  	_ =	swait.ge [sflag:s14], $0x4000  }
0xd5: {  	[sflag:s14] =	ssyncset.done $0x0  }
0xd6: {  	s24 =	rddreg [dreg:$0x14];
	[sflag:s14] =	ssyncadd.s32 $0xFFFFC000  }
0xd7: {  	[hbm4b:s24+s2] =	stream.linear.scatter [tilespmem:s4], [sflag:$0xB], $0x4000, $0x38;
	[tilespmem:$0x19580] =	vst v63  }
0xd8: {  	_ =	swait.ge [sflag:s6], $0x4000  }
0xd9: {  	[sflag:s6] =	ssyncset.done $0x0  }
0xda: {  	[sflag:s6] =	ssyncadd.s32 $0xFFFFC000  }
0xdb: {  	_ =	swait.ge [sflag:s8], $0x4000  }
0xdc: {  	[sflag:s8] =	ssyncset.done $0x0  }
0xdd: {  	[sflag:s8] =	ssyncadd.s32 $0xFFFFC000  }
0xde: {  	_ =	swait.ge [sflag:s9], $0x4000  }
0xdf: {  	[sflag:s9] =	ssyncset.done $0x0  }
0xe0: {  	[sflag:s9] =	ssyncadd.s32 $0xFFFFC000  }
0xe1: {  	_ =	swait.ge [sflag:s10], $0x4000  }
0xe2: {  	[sflag:s10] =	ssyncset.done $0x0  }
0xe3: {  	[sflag:s10] =	ssyncadd.s32 $0xFFFFC000  }
0xe4: {  	_ =	swait.ge [sflag:s22], $0x4000  }
0xe5: {  	[sflag:s22] =	ssyncset.done $0x0  }
0xe6: {  	[sflag:s22] =	ssyncadd.s32 $0xFFFFC000  }
0xe7: {  	_ =	swait.ge [sflag:s13], $0x4000  }
0xe8: {  	[sflag:s13] =	ssyncset.done $0x0  }
0xe9: {  	s19 =	rddreg [dreg:$0x8];
	[sflag:s13] =	ssyncadd.s32 $0xFFFFC000  }
0xea: {  	[tilespmem:s29], [sflag:$0xE] =	stream.linear.gather @!p0 [hbm4b:s19+s28], $0x80, $0x38;
	[tilespmem:$0x19580] =	vst v63  }
0xeb: {  	_ =	swait.ge @!p0 [sflag:s26], $0x80  }
0xec: {  	[sflag:s26] =	ssyncset.done @!p0 $0x0  }
0xed: {  	s19 =	rddreg [dreg:$0x6];
	[sflag:s26] =	ssyncadd.s32 @!p0 $0xFFFFFF80  }
0xee: {  	[tilespmem:s1], [sflag:$0x1] =	stream.indirect.gather @!p0 [hbm4b:s19+s31], $0x80, s29, s31, $0xb8;
	[tilespmem:$0x19580] =	vst v63  }
0xef: {  	_ =	swait.ge @!p0 [sflag:s30], $0x1000  }
0xf0: {  	[sflag:s30] =	ssyncset.done @!p0 $0x0  }
0xf1: {  	s19 =	rddreg [dreg:$0x9];
	[sflag:s30] =	ssyncadd.s32 @!p0 $0xFFFFF000  }
0xf2: {  	[hbm4b:s19+s28] =	stream.linear.scatter @!p0 [tilespmem:s1], [sflag:$0xE], $0x1000, $0x38;
	[tilespmem:$0x19580] =	vst v63  }
0xf3: {  	_ =	swait.ge @!p0 [sflag:s26], $0x1000  }
0xf4: {  	[sflag:s26] =	ssyncset.done @!p0 $0x0  }
0xf5: {  	s0 =	sadd.s32 $0xFFFFFFFF, s0;
	s19 =	rddreg [dreg:$0x7];
	[sflag:s26] =	ssyncadd.s32 @!p0 $0xFFFFF000  }
0xf6: {  	[tilespmem:s1], [sflag:$0x1] =	stream.indirect.gather @!p0 [hbm4b:s19+s31], $0x80, s29, s31, $0xb8;
	[tilespmem:$0x19580] =	vst v63  }
0xf7: {  	p2 =	sne.s32 s0, $0x0;
	_ =	swait.ge @!p0 [sflag:s30], $0x1000  }
.Ltmp2:
0xf8: {  	[sflag:s30] =	ssyncset.done @!p0 $0x0;
	(pc) =	sbr.rel @p2 .LBB2_4-.Ltmp2, $4  }
0xf9: {  	s19 =	rddreg [dreg:$0xa];
	[sflag:s30] =	ssyncadd.s32 @!p0 $0xFFFFF000  }
0xfa: {  	[hbm4b:s19+s28] =	stream.linear.scatter @!p0 [tilespmem:s1], [sflag:$0xE], $0x1000, $0x38;
	[tilespmem:$0x19580] =	vst v63  }
0xfb: {  	_ =	swait.ge @!p0 [sflag:s26], $0x1000  }
0xfc: {  	s24 =	rddreg [dreg:$0xb];
	[sflag:s26] =	ssyncset.done @!p0 $0x0  }
0xfd: {  	s28 =	rddreg [dreg:$0x5]  }
0xfe: {  	s19 =	stileid.u32;
	s20 =	simm.s32 $0x14580;
	s29 =	rddreg [dreg:$0x1c]  }
0xff: {  	s11 =	simm.s32 $0x10580;
	s13 =	simm.s32 $0xD;
	s22 =	simm.s32 $0xC  }
0x100: {  	s23 =	simm.s32 $0x7;
	s21 =	simm.s32 $0x6;
	s30 =	simm.s32 $0x480  }
.LBB2_6:
0x101: {  	p1 =	por p0, !p1  }
0x102: {  	[sflag:s26] =	ssyncadd.s32 @!p1 $0xFFFFF000  }
0x103: {  	[tilespmem:s2], [sflag:$0xE] =	stream.linear.gather [hbm4b:s24+s2], $0x500, $0x38;
	[tilespmem:$0x19580] =	vst v63  }
0x104: {  	_ =	swait.ge [sflag:s25], $0x500  }
0x105: {  	[sflag:s25] =	ssyncset.done $0x0  }
0x106: {  	[sflag:s25] =	ssyncadd.s32 $0xFFFFFB00  }
0x107: {  	[tilespmem:s12], [sflag:$0x2] =	stream.indirect.gather [hbm4b:s3+s16], $0x80, s2, s16, $0xb8;
	[tilespmem:$0x19580] =	vst v63  }
0x108: {  	_ = 	snop  }
0x109: {  	[tilespmem:s7], [sflag:$0x3] =	stream.indirect.gather [hbm4b:s3+s16], $0x80, s16, s16, $0xb8;
	[tilespmem:$0x19580] =	vst v63  }
0x10a: {  	s0 =	rddreg [dreg:$0x15]  }
0x10b: {  	[tilespmem:s5], [sflag:$0x4] =	stream.indirect.gather [hbm4b:s3+s16], $0x80, s0, s16, $0xb8;
	[tilespmem:$0x19580] =	vst v63  }
0x10c: {  	s1 =	rddreg [dreg:$0x16]  }
0x10d: {  	[tilespmem:s4], [sflag:$0x5] =	stream.indirect.gather [hbm4b:s3+s16], $0x80, s1, s16, $0xb8;
	[tilespmem:$0x19580] =	vst v63  }
0x10e: {  	s26 =	rddreg [dreg:$0x17]  }
0x10f: {  	[tilespmem:s11], [sflag:$0x6] =	stream.indirect.gather [hbm4b:s3+s16], $0x80, s26, s16, $0xb8;
	[tilespmem:$0x19580] =	vst v63  }
0x110: {  	s31 =	rddreg [dreg:$0x18]  }
0x111: {  	[tilespmem:s20], [sflag:$0x7] =	stream.indirect.gather [hbm4b:s3+s16], $0x80, s31, s16, $0xb8;
	[tilespmem:$0x19580] =	vst v63  }
0x112: {  	_ =	swait.ge [sflag:s17], $0x4000  }
0x113: {  	[sflag:s17] =	ssyncset.done $0x0  }
0x114: {  	[sflag:s17] =	ssyncadd.s32 $0xFFFFC000  }
0x115: {  	[hbm4b:s29+s2] =	stream.linear.scatter [tilespmem:s12], [sflag:$0x8], $0x4000, $0x38;
	[tilespmem:$0x19580] =	vst v63  }
0x116: {  	_ =	swait.ge [sflag:s6], $0x4000  }
0x117: {  	[sflag:s6] =	ssyncset.done $0x0  }
0x118: {  	s24 =	rddreg [dreg:$0x19];
	[sflag:s6] =	ssyncadd.s32 $0xFFFFC000  }
0x119: {  	[tilespmem:s12], [sflag:$0x2] =	stream.indirect.gather [hbm4b:s3+s16], $0x80, s24, s16, $0xb8;
	[tilespmem:$0x19580] =	vst v63  }
0x11a: {  	_ =	swait.ge [sflag:s18], $0x4000  }
0x11b: {  	[sflag:s18] =	ssyncset.done $0x0  }
0x11c: {  	s25 =	rddreg [dreg:$0xc];
	[sflag:s18] =	ssyncadd.s32 $0xFFFFC000  }
0x11d: {  	[hbm4b:s25+s2] =	stream.linear.scatter [tilespmem:s7], [sflag:$0x9], $0x4000, $0x38;
	[tilespmem:$0x19580] =	vst v63  }
0x11e: {  	_ =	swait.ge [sflag:s8], $0x4000  }
0x11f: {  	[sflag:s8] =	ssyncset.done $0x0  }
0x120: {  	s26 =	rddreg [dreg:$0x1a];
	[sflag:s8] =	ssyncadd.s32 $0xFFFFC000  }
0x121: {  	[tilespmem:s7], [sflag:$0x3] =	stream.indirect.gather [hbm4b:s3+s16], $0x80, s26, s16, $0xb8;
	[tilespmem:$0x19580] =	vst v63  }
0x122: {  	_ =	swait.ge [sflag:s15], $0x4000  }
0x123: {  	[sflag:s15] =	ssyncset.done $0x0  }
0x124: {  	s29 =	rddreg [dreg:$0xd];
	[sflag:s15] =	ssyncadd.s32 $0xFFFFC000  }
0x125: {  	[hbm4b:s29+s2] =	stream.linear.scatter [tilespmem:s5], [sflag:$0xA], $0x4000, $0x38;
	[tilespmem:$0x19580] =	vst v63  }
0x126: {  	_ =	swait.ge [sflag:s9], $0x4000  }
0x127: {  	[sflag:s9] =	ssyncset.done $0x0  }
0x128: {  	s31 =	rddreg [dreg:$0x1b];
	[sflag:s9] =	ssyncadd.s32 $0xFFFFC000  }
0x129: {  	[tilespmem:s5], [sflag:$0x4] =	stream.indirect.gather [hbm4b:s3+s16], $0x80, s31, s16, $0xb8;
	[tilespmem:$0x19580] =	vst v63  }
0x12a: {  	_ =	swait.ge [sflag:s14], $0x4000  }
0x12b: {  	[sflag:s14] =	ssyncset.done $0x0  }
0x12c: {  	s1 =	rddreg [dreg:$0xe];
	[sflag:s14] =	ssyncadd.s32 $0xFFFFC000  }
0x12d: {  	[hbm4b:s1+s2] =	stream.linear.scatter [tilespmem:s4], [sflag:$0xB], $0x4000, $0x38;
	[tilespmem:$0x19580] =	vst v63  }
0x12e: {  	_ =	swait.ge [sflag:s10], $0x4000  }
0x12f: {  	[sflag:s10] =	ssyncset.done $0x0  }
0x130: {  	[sflag:s10] =	ssyncadd.s32 $0xFFFFC000  }
0x131: {  	[tilespmem:s4], [sflag:$0x5] =	stream.indirect.gather [hbm4b:s3+s16], $0x80, s30, s16, $0xb8;
	[tilespmem:$0x19580] =	vst v63  }
0x132: {  	_ =	swait.ge [sflag:s21], $0x4000  }
0x133: {  	[sflag:s21] =	ssyncset.done $0x0  }
0x134: {  	s24 =	rddreg [dreg:$0xf];
	[sflag:s21] =	ssyncadd.s32 $0xFFFFC000  }
0x135: {  	[hbm4b:s24+s2] =	stream.linear.scatter [tilespmem:s11], [sflag:$0xC], $0x4000, $0x38;
	[tilespmem:$0x19580] =	vst v63  }
0x136: {  	_ =	swait.ge [sflag:s23], $0x4000  }
0x137: {  	[sflag:s23] =	ssyncset.done $0x0  }
0x138: {  	s25 =	rddreg [dreg:$0x10];
	[sflag:s23] =	ssyncadd.s32 $0xFFFFC000  }
0x139: {  	[hbm4b:s25+s2] =	stream.linear.scatter [tilespmem:s20], [sflag:$0xD], $0x4000, $0x38;
	[tilespmem:$0x19580] =	vst v63  }
0x13a: {  	_ =	swait.ge [sflag:s17], $0x4000  }
0x13b: {  	[sflag:s17] =	ssyncset.done $0x0  }
0x13c: {  	s26 =	rddreg [dreg:$0x11];
	[sflag:s17] =	ssyncadd.s32 $0xFFFFC000  }
0x13d: {  	[hbm4b:s26+s2] =	stream.linear.scatter [tilespmem:s12], [sflag:$0x8], $0x4000, $0x38;
	[tilespmem:$0x19580] =	vst v63  }
0x13e: {  	_ =	swait.ge [sflag:s18], $0x4000  }
0x13f: {  	[sflag:s18] =	ssyncset.done $0x0  }
0x140: {  	s29 =	rddreg [dreg:$0x12];
	[sflag:s18] =	ssyncadd.s32 $0xFFFFC000  }
0x141: {  	[hbm4b:s29+s2] =	stream.linear.scatter [tilespmem:s7], [sflag:$0x9], $0x4000, $0x38;
	[tilespmem:$0x19580] =	vst v63  }
0x142: {  	_ =	swait.ge [sflag:s15], $0x4000  }
0x143: {  	[sflag:s15] =	ssyncset.done $0x0  }
0x144: {  	s30 =	rddreg [dreg:$0x13];
	[sflag:s15] =	ssyncadd.s32 $0xFFFFC000  }
0x145: {  	[hbm4b:s30+s2] =	stream.linear.scatter [tilespmem:s5], [sflag:$0xA], $0x4000, $0x38;
	[tilespmem:$0x19580] =	vst v63  }
0x146: {  	_ =	swait.ge [sflag:s14], $0x4000  }
0x147: {  	[sflag:s14] =	ssyncset.done $0x0  }
0x148: {  	s31 =	rddreg [dreg:$0x14];
	[sflag:s14] =	ssyncadd.s32 $0xFFFFC000  }
0x149: {  	[hbm4b:s31+s2] =	stream.linear.scatter [tilespmem:s4], [sflag:$0xB], $0x4000, $0x38;
	[tilespmem:$0x19580] =	vst v63  }
0x14a: {  	_ =	swait.ge [sflag:s6], $0x4000  }
0x14b: {  	[sflag:s6] =	ssyncset.done $0x0  }
0x14c: {  	[sflag:s6] =	ssyncadd.s32 $0xFFFFC000  }
0x14d: {  	_ =	swait.ge [sflag:s8], $0x4000  }
0x14e: {  	[sflag:s8] =	ssyncset.done $0x0  }
0x14f: {  	[sflag:s8] =	ssyncadd.s32 $0xFFFFC000  }
0x150: {  	_ =	swait.ge [sflag:s9], $0x4000  }
0x151: {  	[sflag:s9] =	ssyncset.done $0x0  }
0x152: {  	[sflag:s9] =	ssyncadd.s32 $0xFFFFC000  }
0x153: {  	_ =	swait.ge [sflag:s10], $0x4000  }
0x154: {  	[sflag:s10] =	ssyncset.done $0x0  }
0x155: {  	[sflag:s10] =	ssyncadd.s32 $0xFFFFC000  }
0x156: {  	_ =	swait.ge [sflag:s22], $0x4000  }
0x157: {  	[sflag:s22] =	ssyncset.done $0x0  }
0x158: {  	[sflag:s22] =	ssyncadd.s32 $0xFFFFC000  }
0x159: {  	_ =	swait.ge [sflag:s13], $0x4000  }
0x15a: {  	s1 =	simm.s32 @!p0 $0xE;
	s3 =	simm.s32 @!p0 $0x500;
	[sflag:s13] =	ssyncset.done $0x0  }
0x15b: {  	s2 =	simm.s32 @!p0 $0x0;
	s0 =	rddreg [dreg:$0x8];
	[sflag:s13] =	ssyncadd.s32 $0xFFFFC000  }
0x15c: {  	[tilespmem:s3], [sflag:$0xE] =	stream.linear.gather @!p0 [hbm4b:s0+s2], $0x80, $0x38;
	[tilespmem:$0x19580] =	vst v63  }
0x15d: {  	_ =	swait.ge @!p0 [sflag:s1], $0x80  }
0x15e: {  	s5 =	simm.s32 @!p0 $0x20;
	s4 =	simm.s32 @!p0 $0x1;
	[sflag:s1] =	ssyncset.done @!p0 $0x0  }
0x15f: {  	s6 =	simm.s32 @!p0 $0x18580;
	s0 =	rddreg [dreg:$0x6];
	[sflag:s1] =	ssyncadd.s32 @!p0 $0xFFFFFF80  }
0x160: {  	[tilespmem:s6], [sflag:$0x1] =	stream.indirect.gather @!p0 [hbm4b:s0+s5], $0x80, s3, s5, $0xb8;
	[tilespmem:$0x19580] =	vst v63  }
0x161: {  	_ =	swait.ge @!p0 [sflag:s4], $0x1000  }
0x162: {  	[sflag:s4] =	ssyncset.done @!p0 $0x0  }
0x163: {  	s0 =	rddreg [dreg:$0x9];
	[sflag:s4] =	ssyncadd.s32 @!p0 $0xFFFFF000  }
0x164: {  	[hbm4b:s0+s2] =	stream.linear.scatter @!p0 [tilespmem:s6], [sflag:$0xE], $0x1000, $0x38;
	[tilespmem:$0x19580] =	vst v63  }
0x165: {  	_ =	swait.ge @!p0 [sflag:s1], $0x1000  }
0x166: {  	[sflag:s1] =	ssyncset.done @!p0 $0x0  }
0x167: {  	s0 =	rddreg [dreg:$0x7];
	[sflag:s1] =	ssyncadd.s32 @!p0 $0xFFFFF000  }
0x168: {  	[tilespmem:s6], [sflag:$0x1] =	stream.indirect.gather @!p0 [hbm4b:s0+s5], $0x80, s3, s5, $0xb8;
	[tilespmem:$0x19580] =	vst v63  }
0x169: {  	_ =	swait.ge @!p0 [sflag:s4], $0x1000  }
0x16a: {  	[sflag:s4] =	ssyncset.done @!p0 $0x0  }
0x16b: {  	s0 =	rddreg [dreg:$0xa];
	[sflag:s4] =	ssyncadd.s32 @!p0 $0xFFFFF000  }
0x16c: {  	[hbm4b:s0+s2] =	stream.linear.scatter @!p0 [tilespmem:s6], [sflag:$0xE], $0x1000, $0x38;
	[tilespmem:$0x19580] =	vst v63  }
0x16d: {  	_ =	swait.ge @!p0 [sflag:s1], $0x1000  }
0x16e: {  	[sflag:s1] =	ssyncset.done @!p0 $0x0  }
0x16f: {  	[sflag:s1] =	ssyncadd.s32 @!p0 $0xFFFFF000  }
0x170: {  	_ =	sfence.sel $0x180000  }
0x171: {  	[bflag:$0x0] =	sbarrier.arrive $0xFFFF  }
0x172: {  	p0 =	sne.s32 s19, $0x0;
	_ =	strace $0x90000047  }
0x173: {  	s0 =	sadd.s32 @!p0 $0x100000, s28;
	[bflag:$0x2] =	sbarrier.arrive $0xFFFF  }
0x174: {  	[sflag:s0] =	ssyncadd.tile.s32 @!p0 $0x1;
	_ =	shalt  }
.LBB2_1:
.Ltmp3:
0x175: {  	(pc) =	sbr.rel .LBB2_6-.Ltmp3, $2  }
0x176: {  	_ =	sdelay $0x2  }
0x177: {  	_ = 	snop  }
.LBB2_3:
.Ltmp4:
0x178: {  	(pc) =	sbr.rel .LBB2_6-.Ltmp4, $4  }
0x179: {  	s28 =	rddreg [dreg:$0x5]  }
0x17a: {  	s19 =	stileid.u32;
	s20 =	simm.s32 $0x14580;
	s29 =	rddreg [dreg:$0x1c]  }
0x17b: {  	s11 =	simm.s32 $0x10580;
	s13 =	simm.s32 $0xD;
	s22 =	simm.s32 $0xC  }
0x17c: {  	s23 =	simm.s32 $0x7;
	s21 =	simm.s32 $0x6;
	s30 =	simm.s32 $0x480  }
.Lfunc_end2:
_tile_overlayer_lowered:
.L_overlay_start_2:
0x17d: {  	(tag) =	ssettag $0x2  }
0x17e: {  	s0 =	rddreg [dreg:$0x0];
	s2 =	stileid.u32  }
0x17f: {  	s1 =	rddreg [dreg:$0x1];
	p0 =	sne.s32 s2, $0x0  }
0x180: {  	s3 =	rddreg [dreg:$0x2];
	[bflag:$0x3] =	sbarrier.arrive $0xFFFF;
	s2 =	simm.s32 @!p0 $0x1C0E  }
0x181: {  	[timem:s3], [sflag:s2] =	dma.local @!p0 [hbm:s0], s1  }
0x182: {  	s0 =	simm.s32 @!p0 $0xE  }
0x183: {  	_ =	swait.ge @!p0 [sflag:s0], s1  }
0x184: {  	s1 =	ssub.s32 @!p0 $0x0, s1;
	[sflag:s0] =	ssyncset.done @!p0 $0x0  }
0x185: {  	[sflag:s0] =	ssyncadd.s32 @!p0 s1  }
0x186: {  	[bflag:$0x3] =	sbarrier.arrive $0xFFFF  }
0x187: {  	_ =	shalt  }

</sc_bundles>
